<compile_context>
chip_gen: v7x
topology: tpu7x:2x2x1
jax: 0.10.2.dev20260603
libtpu: 0.0.44.dev20260713+nightly
codegen_flags: <defaults>
</compile_context>

<pallas_src>
import functools

import jax
import jax.numpy as jnp
from jax import lax
from jax.experimental import pallas as pl
from jax.experimental.pallas import tpu as pltpu
from jax.experimental.pallas import tpu_sc as plsc

NUM_EMB = 1000000
HALF = NUM_EMB // 2
D = 64
B = 16384
H = 20
TOTAL = B * H

NC = 2
NS = 16
NW = NC * NS
PER_W = TOTAL // NW
CHUNK = 128
NCH = PER_W // CHUNK
NBUF = 8
GROUPS = NCH // NBUF


def _emb_kernel(idx_hbm, table_hbm, out_hbm, idx_v, *scr):
    rows = scr[:NBUF]
    sem_idx = scr[NBUF]
    gsem = scr[NBUF + 1:NBUF + 1 + NBUF]
    wsem = scr[NBUF + 1 + NBUF:]
    wid = lax.axis_index("s") * NC + lax.axis_index("c")
    base = wid * PER_W
    pltpu.async_copy(idx_hbm.at[wid], idx_v, sem_idx).wait()

    def gather(c, b):
        pltpu.async_copy(table_hbm.at[idx_v.at[c]], rows[b], gsem[b])

    def wb_start(c, b):
        pltpu.async_copy(rows[b], out_hbm.at[pl.ds(base + c * CHUNK, CHUNK)],
                         wsem[b])

    def drain(sem, buf):
        pltpu.make_async_copy(table_hbm.at[pl.ds(0, CHUNK)], buf, sem).wait()

    for b in range(NBUF):
        gather(b, b)

    def body(step, carry):
        for b in range(NBUF):
            c = step * NBUF + b
            drain(gsem[b], rows[b])
            wb_start(c, b)
            drain(wsem[b], rows[b])
            gather(c + NBUF, b)
        return carry

    lax.fori_loop(0, GROUPS - 1, body, 0)

    for b in range(NBUF):
        c = (GROUPS - 1) * NBUF + b
        drain(gsem[b], rows[b])
        wb_start(c, b)
        drain(wsem[b], rows[b])


@jax.jit
def kernel(input_ids, table):
    packed = jnp.concatenate([table[:HALF], table[HALF:]], axis=1)
    flat_table = jnp.reshape(packed, (NUM_EMB, D))

    ids = input_ids.astype(jnp.int32)
    q = jnp.where(ids < HALF, 2 * ids, 2 * ids - (NUM_EMB - 1))
    idx = jnp.reshape(q, (NW, NCH, CHUNK))

    mesh = plsc.VectorSubcoreMesh(core_axis_name="c", subcore_axis_name="s")
    run = functools.partial(
        pl.kernel,
        mesh=mesh,
        out_type=jax.ShapeDtypeStruct((TOTAL, D), jnp.float32),
        scratch_types=(
            [pltpu.VMEM((NCH, CHUNK), jnp.int32)]
            + [pltpu.VMEM((CHUNK, D), jnp.float32) for _ in range(NBUF)]
            + [pltpu.SemaphoreType.DMA] * (1 + 2 * NBUF)
        ),
        compiler_params=pltpu.CompilerParams(use_tc_tiling_on_sc=False),
    )(_emb_kernel)
    out = run(idx, flat_table)
    return jnp.reshape(out, (B, H, D))

# --- scband reference (transcript-rebuilt; emitter-appended) ---
"""Pipeline reference for scband-embedding-7799660610031 (READ-ONLY COPY).

The authoritative reference and input builder live on the scoring server;
editing this copy changes nothing except your own understanding.
"""

import jax, jax.numpy as jnp
import numpy as np

NUM_EMBEDDINGS = 1000000
EMBED_DIM = 64
BATCH = 16384
HIST = 20


def setup_inputs(seed: int = 0) -> dict:
    key = jax.random.key(seed)
    k_idx, k_tab = jax.random.split(key)
    input_ids = jax.random.randint(k_idx, (BATCH, HIST), 0, NUM_EMBEDDINGS, dtype=jnp.int64 if jax.config.read('jax_enable_x64') else jnp.int32)
    table = jax.random.normal(k_tab, (NUM_EMBEDDINGS, EMBED_DIM), dtype=jnp.float32) * 0.02
    return {"input_ids": input_ids, "table": table}


def reference(input_ids, table):
    # torch.nn.Embedding forward: gather rows of the table by index
    return jnp.take(table, input_ids, axis=0)

if __name__ == "__main__":
    import jax
    _d = setup_inputs()
    print(jax.jit(kernel)(*tuple(_d.values())))

</pallas_src>

<mosaic_0001>
#map = affine_map<(d0, d1) -> (0, 0, 0)>
#map1 = affine_map<(d0, d1) -> (0, 0)>
module attributes {stable_mosaic.version = 14 : i64} {
  func.func @_emb_kernel(%arg0: i32, %arg1: i32, %arg2: memref<32x80x128xi32, #tpu.memory_space<hbm>>, %arg3: memref<1000000x64xf32, #tpu.memory_space<hbm>>, %arg4: memref<327680x64xf32, #tpu.memory_space<hbm>>, %arg5: memref<80x128xi32, #tpu.memory_space<vmem>>, %arg6: memref<128x64xf32, #tpu.memory_space<vmem>>, %arg7: memref<128x64xf32, #tpu.memory_space<vmem>>, %arg8: memref<128x64xf32, #tpu.memory_space<vmem>>, %arg9: memref<128x64xf32, #tpu.memory_space<vmem>>, %arg10: memref<128x64xf32, #tpu.memory_space<vmem>>, %arg11: memref<128x64xf32, #tpu.memory_space<vmem>>, %arg12: memref<128x64xf32, #tpu.memory_space<vmem>>, %arg13: memref<128x64xf32, #tpu.memory_space<vmem>>, %arg14: memref<!tpu.dma_semaphore, #tpu.memory_space<semaphore_mem>>, %arg15: memref<!tpu.dma_semaphore, #tpu.memory_space<semaphore_mem>>, %arg16: memref<!tpu.dma_semaphore, #tpu.memory_space<semaphore_mem>>, %arg17: memref<!tpu.dma_semaphore, #tpu.memory_space<semaphore_mem>>, %arg18: memref<!tpu.dma_semaphore, #tpu.memory_space<semaphore_mem>>, %arg19: memref<!tpu.dma_semaphore, #tpu.memory_space<semaphore_mem>>, %arg20: memref<!tpu.dma_semaphore, #tpu.memory_space<semaphore_mem>>, %arg21: memref<!tpu.dma_semaphore, #tpu.memory_space<semaphore_mem>>, %arg22: memref<!tpu.dma_semaphore, #tpu.memory_space<semaphore_mem>>, %arg23: memref<!tpu.dma_semaphore, #tpu.memory_space<semaphore_mem>>, %arg24: memref<!tpu.dma_semaphore, #tpu.memory_space<semaphore_mem>>, %arg25: memref<!tpu.dma_semaphore, #tpu.memory_space<semaphore_mem>>, %arg26: memref<!tpu.dma_semaphore, #tpu.memory_space<semaphore_mem>>, %arg27: memref<!tpu.dma_semaphore, #tpu.memory_space<semaphore_mem>>, %arg28: memref<!tpu.dma_semaphore, #tpu.memory_space<semaphore_mem>>, %arg29: memref<!tpu.dma_semaphore, #tpu.memory_space<semaphore_mem>>, %arg30: memref<!tpu.dma_semaphore, #tpu.memory_space<semaphore_mem>>) attributes {dimension_semantics = [#tpu.dimension_semantics<core_parallel>, #tpu.dimension_semantics<subcore_parallel>], iteration_bounds = array<i64: 2, 16>, scalar_prefetch = 0 : i64, scratch_operands = 26 : i64, tpu.core_type = #tpu.core_type<sc_vector_subcore>, window_params = [{transform_indices = #map}, {transform_indices = #map1}, {transform_indices = #map1}]} {
    %mul3A = arith.constant 2 : i32
    %mul3A_0 = arith.muli %arg1, %mul3A : i32
    %add3A = arith.addi %mul3A_0, %arg0 : i32
    %mul3A_1 = arith.constant 10240 : i32
    %mul3A_2 = arith.muli %add3A, %mul3A_1 : i32
    %dma_start3A = arith.constant 0 : i32
    %dma_start3A_3 = arith.constant 0 : i32
    %dma_start3A_4 = tpu.memref_slice %arg2[%add3A, %dma_start3A, %dma_start3A_3] : memref<32x80x128xi32, #tpu.memory_space<hbm>> -> memref<1x80x128xi32, #tpu.memory_space<hbm>>
    %dma_start3A_5 = tpu.memref_squeeze %dma_start3A_4 : memref<1x80x128xi32, #tpu.memory_space<hbm>> -> memref<80x128xi32, #tpu.memory_space<hbm>>
    %dma_start3A_6 = arith.constant 0 : i32
    %dma_start3A_7 = arith.constant 0 : i32
    %dma_start3A_8 = tpu.memref_slice %arg2[%add3A, %dma_start3A_6, %dma_start3A_7] : memref<32x80x128xi32, #tpu.memory_space<hbm>> -> memref<1x80x128xi32, #tpu.memory_space<hbm>>
    %dma_start3A_9 = tpu.memref_squeeze %dma_start3A_8 : memref<1x80x128xi32, #tpu.memory_space<hbm>> -> memref<80x128xi32, #tpu.memory_space<hbm>>
    tpu.enqueue_dma source(%dma_start3A_9 : memref<80x128xi32, #tpu.memory_space<hbm>>) target(%arg5 : memref<80x128xi32, #tpu.memory_space<vmem>>) target_semaphore(%arg14 : memref<!tpu.dma_semaphore, #tpu.memory_space<semaphore_mem>>)
    %dma_wait3A = arith.constant 0 : i32
    %dma_wait3A_10 = arith.constant 0 : i32
    %dma_wait3A_11 = tpu.memref_slice %arg2[%add3A, %dma_wait3A, %dma_wait3A_10] : memref<32x80x128xi32, #tpu.memory_space<hbm>> -> memref<1x80x128xi32, #tpu.memory_space<hbm>>
    %dma_wait3A_12 = tpu.memref_squeeze %dma_wait3A_11 : memref<1x80x128xi32, #tpu.memory_space<hbm>> -> memref<80x128xi32, #tpu.memory_space<hbm>>
    %dma_wait3A_13 = arith.constant 0 : i32
    %dma_wait3A_14 = arith.constant 0 : i32
    %dma_wait3A_15 = tpu.memref_slice %arg2[%add3A, %dma_wait3A_13, %dma_wait3A_14] : memref<32x80x128xi32, #tpu.memory_space<hbm>> -> memref<1x80x128xi32, #tpu.memory_space<hbm>>
    %dma_wait3A_16 = tpu.memref_squeeze %dma_wait3A_15 : memref<1x80x128xi32, #tpu.memory_space<hbm>> -> memref<80x128xi32, #tpu.memory_space<hbm>>
    tpu.wait_dma2 semaphore(%arg14 : memref<!tpu.dma_semaphore, #tpu.memory_space<semaphore_mem>>) src(%dma_wait3A_16 : memref<80x128xi32, #tpu.memory_space<hbm>>) dst(%arg5 : memref<80x128xi32, #tpu.memory_space<vmem>>)
    %dma_start3A_17 = arith.constant 0 : i32
    %dma_start3A_18 = arith.constant 0 : i32
    %dma_start3A_19 = tpu.memref_slice %arg5[%dma_start3A_17, %dma_start3A_18] : memref<80x128xi32, #tpu.memory_space<vmem>> -> memref<1x128xi32, #tpu.memory_space<vmem>>
    %dma_start3A_20 = tpu.memref_squeeze %dma_start3A_19 : memref<1x128xi32, #tpu.memory_space<vmem>> -> memref<128xi32, #tpu.memory_space<vmem>>
    %dma_start3A_21 = arith.constant 0 : i32
    %dma_start3A_22 = arith.constant 0 : i32
    %dma_start3A_23 = tpu.memref_slice %arg3[%dma_start3A_21, %dma_start3A_22] : memref<1000000x64xf32, #tpu.memory_space<hbm>> -> memref<1000000x64xf32, #tpu.memory_space<hbm>>
    tpu.enqueue_indirect_dma source(%dma_start3A_23 : memref<1000000x64xf32, #tpu.memory_space<hbm>>) target(%arg6 : memref<128x64xf32, #tpu.memory_space<vmem>>) offsets(%dma_start3A_20 : memref<128xi32, #tpu.memory_space<vmem>>) semaphore(%arg15 : memref<!tpu.dma_semaphore, #tpu.memory_space<semaphore_mem>>)
    %dma_start3A_24 = arith.constant 1 : i32
    %dma_start3A_25 = arith.constant 0 : i32
    %dma_start3A_26 = tpu.memref_slice %arg5[%dma_start3A_24, %dma_start3A_25] : memref<80x128xi32, #tpu.memory_space<vmem>> -> memref<1x128xi32, #tpu.memory_space<vmem>>
    %dma_start3A_27 = tpu.memref_squeeze %dma_start3A_26 : memref<1x128xi32, #tpu.memory_space<vmem>> -> memref<128xi32, #tpu.memory_space<vmem>>
    %dma_start3A_28 = arith.constant 0 : i32
    %dma_start3A_29 = arith.constant 0 : i32
    %dma_start3A_30 = tpu.memref_slice %arg3[%dma_start3A_28, %dma_start3A_29] : memref<1000000x64xf32, #tpu.memory_space<hbm>> -> memref<1000000x64xf32, #tpu.memory_space<hbm>>
    tpu.enqueue_indirect_dma source(%dma_start3A_30 : memref<1000000x64xf32, #tpu.memory_space<hbm>>) target(%arg7 : memref<128x64xf32, #tpu.memory_space<vmem>>) offsets(%dma_start3A_27 : memref<128xi32, #tpu.memory_space<vmem>>) semaphore(%arg16 : memref<!tpu.dma_semaphore, #tpu.memory_space<semaphore_mem>>)
    %dma_start3A_31 = arith.constant 2 : i32
    %dma_start3A_32 = arith.constant 0 : i32
    %dma_start3A_33 = tpu.memref_slice %arg5[%dma_start3A_31, %dma_start3A_32] : memref<80x128xi32, #tpu.memory_space<vmem>> -> memref<1x128xi32, #tpu.memory_space<vmem>>
    %dma_start3A_34 = tpu.memref_squeeze %dma_start3A_33 : memref<1x128xi32, #tpu.memory_space<vmem>> -> memref<128xi32, #tpu.memory_space<vmem>>
    %dma_start3A_35 = arith.constant 0 : i32
    %dma_start3A_36 = arith.constant 0 : i32
    %dma_start3A_37 = tpu.memref_slice %arg3[%dma_start3A_35, %dma_start3A_36] : memref<1000000x64xf32, #tpu.memory_space<hbm>> -> memref<1000000x64xf32, #tpu.memory_space<hbm>>
    tpu.enqueue_indirect_dma source(%dma_start3A_37 : memref<1000000x64xf32, #tpu.memory_space<hbm>>) target(%arg8 : memref<128x64xf32, #tpu.memory_space<vmem>>) offsets(%dma_start3A_34 : memref<128xi32, #tpu.memory_space<vmem>>) semaphore(%arg17 : memref<!tpu.dma_semaphore, #tpu.memory_space<semaphore_mem>>)
    %dma_start3A_38 = arith.constant 3 : i32
    %dma_start3A_39 = arith.constant 0 : i32
    %dma_start3A_40 = tpu.memref_slice %arg5[%dma_start3A_38, %dma_start3A_39] : memref<80x128xi32, #tpu.memory_space<vmem>> -> memref<1x128xi32, #tpu.memory_space<vmem>>
    %dma_start3A_41 = tpu.memref_squeeze %dma_start3A_40 : memref<1x128xi32, #tpu.memory_space<vmem>> -> memref<128xi32, #tpu.memory_space<vmem>>
    %dma_start3A_42 = arith.constant 0 : i32
    %dma_start3A_43 = arith.constant 0 : i32
    %dma_start3A_44 = tpu.memref_slice %arg3[%dma_start3A_42, %dma_start3A_43] : memref<1000000x64xf32, #tpu.memory_space<hbm>> -> memref<1000000x64xf32, #tpu.memory_space<hbm>>
    tpu.enqueue_indirect_dma source(%dma_start3A_44 : memref<1000000x64xf32, #tpu.memory_space<hbm>>) target(%arg9 : memref<128x64xf32, #tpu.memory_space<vmem>>) offsets(%dma_start3A_41 : memref<128xi32, #tpu.memory_space<vmem>>) semaphore(%arg18 : memref<!tpu.dma_semaphore, #tpu.memory_space<semaphore_mem>>)
    %dma_start3A_45 = arith.constant 4 : i32
    %dma_start3A_46 = arith.constant 0 : i32
    %dma_start3A_47 = tpu.memref_slice %arg5[%dma_start3A_45, %dma_start3A_46] : memref<80x128xi32, #tpu.memory_space<vmem>> -> memref<1x128xi32, #tpu.memory_space<vmem>>
    %dma_start3A_48 = tpu.memref_squeeze %dma_start3A_47 : memref<1x128xi32, #tpu.memory_space<vmem>> -> memref<128xi32, #tpu.memory_space<vmem>>
    %dma_start3A_49 = arith.constant 0 : i32
    %dma_start3A_50 = arith.constant 0 : i32
    %dma_start3A_51 = tpu.memref_slice %arg3[%dma_start3A_49, %dma_start3A_50] : memref<1000000x64xf32, #tpu.memory_space<hbm>> -> memref<1000000x64xf32, #tpu.memory_space<hbm>>
    tpu.enqueue_indirect_dma source(%dma_start3A_51 : memref<1000000x64xf32, #tpu.memory_space<hbm>>) target(%arg10 : memref<128x64xf32, #tpu.memory_space<vmem>>) offsets(%dma_start3A_48 : memref<128xi32, #tpu.memory_space<vmem>>) semaphore(%arg19 : memref<!tpu.dma_semaphore, #tpu.memory_space<semaphore_mem>>)
    %dma_start3A_52 = arith.constant 5 : i32
    %dma_start3A_53 = arith.constant 0 : i32
    %dma_start3A_54 = tpu.memref_slice %arg5[%dma_start3A_52, %dma_start3A_53] : memref<80x128xi32, #tpu.memory_space<vmem>> -> memref<1x128xi32, #tpu.memory_space<vmem>>
    %dma_start3A_55 = tpu.memref_squeeze %dma_start3A_54 : memref<1x128xi32, #tpu.memory_space<vmem>> -> memref<128xi32, #tpu.memory_space<vmem>>
    %dma_start3A_56 = arith.constant 0 : i32
    %dma_start3A_57 = arith.constant 0 : i32
    %dma_start3A_58 = tpu.memref_slice %arg3[%dma_start3A_56, %dma_start3A_57] : memref<1000000x64xf32, #tpu.memory_space<hbm>> -> memref<1000000x64xf32, #tpu.memory_space<hbm>>
    tpu.enqueue_indirect_dma source(%dma_start3A_58 : memref<1000000x64xf32, #tpu.memory_space<hbm>>) target(%arg11 : memref<128x64xf32, #tpu.memory_space<vmem>>) offsets(%dma_start3A_55 : memref<128xi32, #tpu.memory_space<vmem>>) semaphore(%arg20 : memref<!tpu.dma_semaphore, #tpu.memory_space<semaphore_mem>>)
    %dma_start3A_59 = arith.constant 6 : i32
    %dma_start3A_60 = arith.constant 0 : i32
    %dma_start3A_61 = tpu.memref_slice %arg5[%dma_start3A_59, %dma_start3A_60] : memref<80x128xi32, #tpu.memory_space<vmem>> -> memref<1x128xi32, #tpu.memory_space<vmem>>
    %dma_start3A_62 = tpu.memref_squeeze %dma_start3A_61 : memref<1x128xi32, #tpu.memory_space<vmem>> -> memref<128xi32, #tpu.memory_space<vmem>>
    %dma_start3A_63 = arith.constant 0 : i32
    %dma_start3A_64 = arith.constant 0 : i32
    %dma_start3A_65 = tpu.memref_slice %arg3[%dma_start3A_63, %dma_start3A_64] : memref<1000000x64xf32, #tpu.memory_space<hbm>> -> memref<1000000x64xf32, #tpu.memory_space<hbm>>
    tpu.enqueue_indirect_dma source(%dma_start3A_65 : memref<1000000x64xf32, #tpu.memory_space<hbm>>) target(%arg12 : memref<128x64xf32, #tpu.memory_space<vmem>>) offsets(%dma_start3A_62 : memref<128xi32, #tpu.memory_space<vmem>>) semaphore(%arg21 : memref<!tpu.dma_semaphore, #tpu.memory_space<semaphore_mem>>)
    %dma_start3A_66 = arith.constant 7 : i32
    %dma_start3A_67 = arith.constant 0 : i32
    %dma_start3A_68 = tpu.memref_slice %arg5[%dma_start3A_66, %dma_start3A_67] : memref<80x128xi32, #tpu.memory_space<vmem>> -> memref<1x128xi32, #tpu.memory_space<vmem>>
    %dma_start3A_69 = tpu.memref_squeeze %dma_start3A_68 : memref<1x128xi32, #tpu.memory_space<vmem>> -> memref<128xi32, #tpu.memory_space<vmem>>
    %dma_start3A_70 = arith.constant 0 : i32
    %dma_start3A_71 = arith.constant 0 : i32
    %dma_start3A_72 = tpu.memref_slice %arg3[%dma_start3A_70, %dma_start3A_71] : memref<1000000x64xf32, #tpu.memory_space<hbm>> -> memref<1000000x64xf32, #tpu.memory_space<hbm>>
    tpu.enqueue_indirect_dma source(%dma_start3A_72 : memref<1000000x64xf32, #tpu.memory_space<hbm>>) target(%arg13 : memref<128x64xf32, #tpu.memory_space<vmem>>) offsets(%dma_start3A_69 : memref<128xi32, #tpu.memory_space<vmem>>) semaphore(%arg22 : memref<!tpu.dma_semaphore, #tpu.memory_space<semaphore_mem>>)
    %scan3A = arith.constant 0 : i32
    %scan3A_73 = arith.constant 0 : i32
    %scan3A_74 = arith.constant 9 : i32
    %scan3A_75 = arith.addi %scan3A_73, %scan3A_74 : i32
    %scan3A_76 = arith.constant 1 : i32
    scf.for %scan3A_222 = %scan3A_73 to %scan3A_75 step %scan3A_76  : i32 {
      %mul3A_223 = arith.constant 8 : i32
      %mul3A_224 = arith.muli %scan3A_222, %mul3A_223 : i32
      %add3A_225 = arith.constant 0 : i32
      %add3A_226 = arith.addi %mul3A_224, %add3A_225 : i32
      %dma_wait3A_227 = arith.constant 0 : i32
      %dma_wait3A_228 = arith.constant 0 : i32
      %dma_wait3A_229 = tpu.memref_slice %arg3[%dma_wait3A_227, %dma_wait3A_228] : memref<1000000x64xf32, #tpu.memory_space<hbm>> -> memref<128x64xf32, #tpu.memory_space<hbm>>
      %dma_wait3A_230 = arith.constant 0 : i32
      %dma_wait3A_231 = arith.constant 0 : i32
      %dma_wait3A_232 = tpu.memref_slice %arg3[%dma_wait3A_230, %dma_wait3A_231] : memref<1000000x64xf32, #tpu.memory_space<hbm>> -> memref<128x64xf32, #tpu.memory_space<hbm>>
      tpu.wait_dma2 semaphore(%arg15 : memref<!tpu.dma_semaphore, #tpu.memory_space<semaphore_mem>>) src(%dma_wait3A_232 : memref<128x64xf32, #tpu.memory_space<hbm>>) dst(%arg6 : memref<128x64xf32, #tpu.memory_space<vmem>>)
      %mul3A_233 = arith.constant 128 : i32
      %mul3A_234 = arith.muli %add3A_226, %mul3A_233 : i32
      %add3A_235 = arith.addi %mul3A_2, %mul3A_234 : i32
      %dma_start3A_236 = arith.constant 0 : i32
      %dma_start3A_237 = tpu.memref_slice %arg4[%add3A_235, %dma_start3A_236] : memref<327680x64xf32, #tpu.memory_space<hbm>> -> memref<128x64xf32, #tpu.memory_space<hbm>>
      %dma_start3A_238 = arith.constant 0 : i32
      %dma_start3A_239 = tpu.memref_slice %arg4[%add3A_235, %dma_start3A_238] : memref<327680x64xf32, #tpu.memory_space<hbm>> -> memref<128x64xf32, #tpu.memory_space<hbm>>
      tpu.enqueue_dma source(%arg6 : memref<128x64xf32, #tpu.memory_space<vmem>>) target(%dma_start3A_239 : memref<128x64xf32, #tpu.memory_space<hbm>>) target_semaphore(%arg23 : memref<!tpu.dma_semaphore, #tpu.memory_space<semaphore_mem>>)
      %dma_wait3A_240 = arith.constant 0 : i32
      %dma_wait3A_241 = arith.constant 0 : i32
      %dma_wait3A_242 = tpu.memref_slice %arg3[%dma_wait3A_240, %dma_wait3A_241] : memref<1000000x64xf32, #tpu.memory_space<hbm>> -> memref<128x64xf32, #tpu.memory_space<hbm>>
      %dma_wait3A_243 = arith.constant 0 : i32
      %dma_wait3A_244 = arith.constant 0 : i32
      %dma_wait3A_245 = tpu.memref_slice %arg3[%dma_wait3A_243, %dma_wait3A_244] : memref<1000000x64xf32, #tpu.memory_space<hbm>> -> memref<128x64xf32, #tpu.memory_space<hbm>>
      tpu.wait_dma2 semaphore(%arg23 : memref<!tpu.dma_semaphore, #tpu.memory_space<semaphore_mem>>) src(%dma_wait3A_245 : memref<128x64xf32, #tpu.memory_space<hbm>>) dst(%arg6 : memref<128x64xf32, #tpu.memory_space<vmem>>)
      %add3A_246 = arith.constant 8 : i32
      %add3A_247 = arith.addi %add3A_226, %add3A_246 : i32
      %dma_start3A_248 = arith.constant 0 : i32
      %dma_start3A_249 = tpu.memref_slice %arg5[%add3A_247, %dma_start3A_248] : memref<80x128xi32, #tpu.memory_space<vmem>> -> memref<1x128xi32, #tpu.memory_space<vmem>>
      %dma_start3A_250 = tpu.memref_squeeze %dma_start3A_249 : memref<1x128xi32, #tpu.memory_space<vmem>> -> memref<128xi32, #tpu.memory_space<vmem>>
      %dma_start3A_251 = arith.constant 0 : i32
      %dma_start3A_252 = arith.constant 0 : i32
      %dma_start3A_253 = tpu.memref_slice %arg3[%dma_start3A_251, %dma_start3A_252] : memref<1000000x64xf32, #tpu.memory_space<hbm>> -> memref<1000000x64xf32, #tpu.memory_space<hbm>>
      tpu.enqueue_indirect_dma source(%dma_start3A_253 : memref<1000000x64xf32, #tpu.memory_space<hbm>>) target(%arg6 : memref<128x64xf32, #tpu.memory_space<vmem>>) offsets(%dma_start3A_250 : memref<128xi32, #tpu.memory_space<vmem>>) semaphore(%arg15 : memref<!tpu.dma_semaphore, #tpu.memory_space<semaphore_mem>>)
      %mul3A_254 = arith.constant 8 : i32
      %mul3A_255 = arith.muli %scan3A_222, %mul3A_254 : i32
      %add3A_256 = arith.constant 1 : i32
      %add3A_257 = arith.addi %mul3A_255, %add3A_256 : i32
      %dma_wait3A_258 = arith.constant 0 : i32
      %dma_wait3A_259 = arith.constant 0 : i32
      %dma_wait3A_260 = tpu.memref_slice %arg3[%dma_wait3A_258, %dma_wait3A_259] : memref<1000000x64xf32, #tpu.memory_space<hbm>> -> memref<128x64xf32, #tpu.memory_space<hbm>>
      %dma_wait3A_261 = arith.constant 0 : i32
      %dma_wait3A_262 = arith.constant 0 : i32
      %dma_wait3A_263 = tpu.memref_slice %arg3[%dma_wait3A_261, %dma_wait3A_262] : memref<1000000x64xf32, #tpu.memory_space<hbm>> -> memref<128x64xf32, #tpu.memory_space<hbm>>
      tpu.wait_dma2 semaphore(%arg16 : memref<!tpu.dma_semaphore, #tpu.memory_space<semaphore_mem>>) src(%dma_wait3A_263 : memref<128x64xf32, #tpu.memory_space<hbm>>) dst(%arg7 : memref<128x64xf32, #tpu.memory_space<vmem>>)
      %mul3A_264 = arith.constant 128 : i32
      %mul3A_265 = arith.muli %add3A_257, %mul3A_264 : i32
      %add3A_266 = arith.addi %mul3A_2, %mul3A_265 : i32
      %dma_start3A_267 = arith.constant 0 : i32
      %dma_start3A_268 = tpu.memref_slice %arg4[%add3A_266, %dma_start3A_267] : memref<327680x64xf32, #tpu.memory_space<hbm>> -> memref<128x64xf32, #tpu.memory_space<hbm>>
      %dma_start3A_269 = arith.constant 0 : i32
      %dma_start3A_270 = tpu.memref_slice %arg4[%add3A_266, %dma_start3A_269] : memref<327680x64xf32, #tpu.memory_space<hbm>> -> memref<128x64xf32, #tpu.memory_space<hbm>>
      tpu.enqueue_dma source(%arg7 : memref<128x64xf32, #tpu.memory_space<vmem>>) target(%dma_start3A_270 : memref<128x64xf32, #tpu.memory_space<hbm>>) target_semaphore(%arg24 : memref<!tpu.dma_semaphore, #tpu.memory_space<semaphore_mem>>)
      %dma_wait3A_271 = arith.constant 0 : i32
      %dma_wait3A_272 = arith.constant 0 : i32
      %dma_wait3A_273 = tpu.memref_slice %arg3[%dma_wait3A_271, %dma_wait3A_272] : memref<1000000x64xf32, #tpu.memory_space<hbm>> -> memref<128x64xf32, #tpu.memory_space<hbm>>
      %dma_wait3A_274 = arith.constant 0 : i32
      %dma_wait3A_275 = arith.constant 0 : i32
      %dma_wait3A_276 = tpu.memref_slice %arg3[%dma_wait3A_274, %dma_wait3A_275] : memref<1000000x64xf32, #tpu.memory_space<hbm>> -> memref<128x64xf32, #tpu.memory_space<hbm>>
      tpu.wait_dma2 semaphore(%arg24 : memref<!tpu.dma_semaphore, #tpu.memory_space<semaphore_mem>>) src(%dma_wait3A_276 : memref<128x64xf32, #tpu.memory_space<hbm>>) dst(%arg7 : memref<128x64xf32, #tpu.memory_space<vmem>>)
      %add3A_277 = arith.constant 8 : i32
      %add3A_278 = arith.addi %add3A_257, %add3A_277 : i32
      %dma_start3A_279 = arith.constant 0 : i32
      %dma_start3A_280 = tpu.memref_slice %arg5[%add3A_278, %dma_start3A_279] : memref<80x128xi32, #tpu.memory_space<vmem>> -> memref<1x128xi32, #tpu.memory_space<vmem>>
      %dma_start3A_281 = tpu.memref_squeeze %dma_start3A_280 : memref<1x128xi32, #tpu.memory_space<vmem>> -> memref<128xi32, #tpu.memory_space<vmem>>
      %dma_start3A_282 = arith.constant 0 : i32
      %dma_start3A_283 = arith.constant 0 : i32
      %dma_start3A_284 = tpu.memref_slice %arg3[%dma_start3A_282, %dma_start3A_283] : memref<1000000x64xf32, #tpu.memory_space<hbm>> -> memref<1000000x64xf32, #tpu.memory_space<hbm>>
      tpu.enqueue_indirect_dma source(%dma_start3A_284 : memref<1000000x64xf32, #tpu.memory_space<hbm>>) target(%arg7 : memref<128x64xf32, #tpu.memory_space<vmem>>) offsets(%dma_start3A_281 : memref<128xi32, #tpu.memory_space<vmem>>) semaphore(%arg16 : memref<!tpu.dma_semaphore, #tpu.memory_space<semaphore_mem>>)
      %mul3A_285 = arith.constant 8 : i32
      %mul3A_286 = arith.muli %scan3A_222, %mul3A_285 : i32
      %add3A_287 = arith.constant 2 : i32
      %add3A_288 = arith.addi %mul3A_286, %add3A_287 : i32
      %dma_wait3A_289 = arith.constant 0 : i32
      %dma_wait3A_290 = arith.constant 0 : i32
      %dma_wait3A_291 = tpu.memref_slice %arg3[%dma_wait3A_289, %dma_wait3A_290] : memref<1000000x64xf32, #tpu.memory_space<hbm>> -> memref<128x64xf32, #tpu.memory_space<hbm>>
      %dma_wait3A_292 = arith.constant 0 : i32
      %dma_wait3A_293 = arith.constant 0 : i32
      %dma_wait3A_294 = tpu.memref_slice %arg3[%dma_wait3A_292, %dma_wait3A_293] : memref<1000000x64xf32, #tpu.memory_space<hbm>> -> memref<128x64xf32, #tpu.memory_space<hbm>>
      tpu.wait_dma2 semaphore(%arg17 : memref<!tpu.dma_semaphore, #tpu.memory_space<semaphore_mem>>) src(%dma_wait3A_294 : memref<128x64xf32, #tpu.memory_space<hbm>>) dst(%arg8 : memref<128x64xf32, #tpu.memory_space<vmem>>)
      %mul3A_295 = arith.constant 128 : i32
      %mul3A_296 = arith.muli %add3A_288, %mul3A_295 : i32
      %add3A_297 = arith.addi %mul3A_2, %mul3A_296 : i32
      %dma_start3A_298 = arith.constant 0 : i32
      %dma_start3A_299 = tpu.memref_slice %arg4[%add3A_297, %dma_start3A_298] : memref<327680x64xf32, #tpu.memory_space<hbm>> -> memref<128x64xf32, #tpu.memory_space<hbm>>
      %dma_start3A_300 = arith.constant 0 : i32
      %dma_start3A_301 = tpu.memref_slice %arg4[%add3A_297, %dma_start3A_300] : memref<327680x64xf32, #tpu.memory_space<hbm>> -> memref<128x64xf32, #tpu.memory_space<hbm>>
      tpu.enqueue_dma source(%arg8 : memref<128x64xf32, #tpu.memory_space<vmem>>) target(%dma_start3A_301 : memref<128x64xf32, #tpu.memory_space<hbm>>) target_semaphore(%arg25 : memref<!tpu.dma_semaphore, #tpu.memory_space<semaphore_mem>>)
      %dma_wait3A_302 = arith.constant 0 : i32
      %dma_wait3A_303 = arith.constant 0 : i32
      %dma_wait3A_304 = tpu.memref_slice %arg3[%dma_wait3A_302, %dma_wait3A_303] : memref<1000000x64xf32, #tpu.memory_space<hbm>> -> memref<128x64xf32, #tpu.memory_space<hbm>>
      %dma_wait3A_305 = arith.constant 0 : i32
      %dma_wait3A_306 = arith.constant 0 : i32
      %dma_wait3A_307 = tpu.memref_slice %arg3[%dma_wait3A_305, %dma_wait3A_306] : memref<1000000x64xf32, #tpu.memory_space<hbm>> -> memref<128x64xf32, #tpu.memory_space<hbm>>
      tpu.wait_dma2 semaphore(%arg25 : memref<!tpu.dma_semaphore, #tpu.memory_space<semaphore_mem>>) src(%dma_wait3A_307 : memref<128x64xf32, #tpu.memory_space<hbm>>) dst(%arg8 : memref<128x64xf32, #tpu.memory_space<vmem>>)
      %add3A_308 = arith.constant 8 : i32
      %add3A_309 = arith.addi %add3A_288, %add3A_308 : i32
      %dma_start3A_310 = arith.constant 0 : i32
      %dma_start3A_311 = tpu.memref_slice %arg5[%add3A_309, %dma_start3A_310] : memref<80x128xi32, #tpu.memory_space<vmem>> -> memref<1x128xi32, #tpu.memory_space<vmem>>
      %dma_start3A_312 = tpu.memref_squeeze %dma_start3A_311 : memref<1x128xi32, #tpu.memory_space<vmem>> -> memref<128xi32, #tpu.memory_space<vmem>>
      %dma_start3A_313 = arith.constant 0 : i32
      %dma_start3A_314 = arith.constant 0 : i32
      %dma_start3A_315 = tpu.memref_slice %arg3[%dma_start3A_313, %dma_start3A_314] : memref<1000000x64xf32, #tpu.memory_space<hbm>> -> memref<1000000x64xf32, #tpu.memory_space<hbm>>
      tpu.enqueue_indirect_dma source(%dma_start3A_315 : memref<1000000x64xf32, #tpu.memory_space<hbm>>) target(%arg8 : memref<128x64xf32, #tpu.memory_space<vmem>>) offsets(%dma_start3A_312 : memref<128xi32, #tpu.memory_space<vmem>>) semaphore(%arg17 : memref<!tpu.dma_semaphore, #tpu.memory_space<semaphore_mem>>)
      %mul3A_316 = arith.constant 8 : i32
      %mul3A_317 = arith.muli %scan3A_222, %mul3A_316 : i32
      %add3A_318 = arith.constant 3 : i32
      %add3A_319 = arith.addi %mul3A_317, %add3A_318 : i32
      %dma_wait3A_320 = arith.constant 0 : i32
      %dma_wait3A_321 = arith.constant 0 : i32
      %dma_wait3A_322 = tpu.memref_slice %arg3[%dma_wait3A_320, %dma_wait3A_321] : memref<1000000x64xf32, #tpu.memory_space<hbm>> -> memref<128x64xf32, #tpu.memory_space<hbm>>
      %dma_wait3A_323 = arith.constant 0 : i32
      %dma_wait3A_324 = arith.constant 0 : i32
      %dma_wait3A_325 = tpu.memref_slice %arg3[%dma_wait3A_323, %dma_wait3A_324] : memref<1000000x64xf32, #tpu.memory_space<hbm>> -> memref<128x64xf32, #tpu.memory_space<hbm>>
      tpu.wait_dma2 semaphore(%arg18 : memref<!tpu.dma_semaphore, #tpu.memory_space<semaphore_mem>>) src(%dma_wait3A_325 : memref<128x64xf32, #tpu.memory_space<hbm>>) dst(%arg9 : memref<128x64xf32, #tpu.memory_space<vmem>>)
      %mul3A_326 = arith.constant 128 : i32
      %mul3A_327 = arith.muli %add3A_319, %mul3A_326 : i32
      %add3A_328 = arith.addi %mul3A_2, %mul3A_327 : i32
      %dma_start3A_329 = arith.constant 0 : i32
      %dma_start3A_330 = tpu.memref_slice %arg4[%add3A_328, %dma_start3A_329] : memref<327680x64xf32, #tpu.memory_space<hbm>> -> memref<128x64xf32, #tpu.memory_space<hbm>>
      %dma_start3A_331 = arith.constant 0 : i32
      %dma_start3A_332 = tpu.memref_slice %arg4[%add3A_328, %dma_start3A_331] : memref<327680x64xf32, #tpu.memory_space<hbm>> -> memref<128x64xf32, #tpu.memory_space<hbm>>
      tpu.enqueue_dma source(%arg9 : memref<128x64xf32, #tpu.memory_space<vmem>>) target(%dma_start3A_332 : memref<128x64xf32, #tpu.memory_space<hbm>>) target_semaphore(%arg26 : memref<!tpu.dma_semaphore, #tpu.memory_space<semaphore_mem>>)
      %dma_wait3A_333 = arith.constant 0 : i32
      %dma_wait3A_334 = arith.constant 0 : i32
      %dma_wait3A_335 = tpu.memref_slice %arg3[%dma_wait3A_333, %dma_wait3A_334] : memref<1000000x64xf32, #tpu.memory_space<hbm>> -> memref<128x64xf32, #tpu.memory_space<hbm>>
      %dma_wait3A_336 = arith.constant 0 : i32
      %dma_wait3A_337 = arith.constant 0 : i32
      %dma_wait3A_338 = tpu.memref_slice %arg3[%dma_wait3A_336, %dma_wait3A_337] : memref<1000000x64xf32, #tpu.memory_space<hbm>> -> memref<128x64xf32, #tpu.memory_space<hbm>>
      tpu.wait_dma2 semaphore(%arg26 : memref<!tpu.dma_semaphore, #tpu.memory_space<semaphore_mem>>) src(%dma_wait3A_338 : memref<128x64xf32, #tpu.memory_space<hbm>>) dst(%arg9 : memref<128x64xf32, #tpu.memory_space<vmem>>)
      %add3A_339 = arith.constant 8 : i32
      %add3A_340 = arith.addi %add3A_319, %add3A_339 : i32
      %dma_start3A_341 = arith.constant 0 : i32
      %dma_start3A_342 = tpu.memref_slice %arg5[%add3A_340, %dma_start3A_341] : memref<80x128xi32, #tpu.memory_space<vmem>> -> memref<1x128xi32, #tpu.memory_space<vmem>>
      %dma_start3A_343 = tpu.memref_squeeze %dma_start3A_342 : memref<1x128xi32, #tpu.memory_space<vmem>> -> memref<128xi32, #tpu.memory_space<vmem>>
      %dma_start3A_344 = arith.constant 0 : i32
      %dma_start3A_345 = arith.constant 0 : i32
      %dma_start3A_346 = tpu.memref_slice %arg3[%dma_start3A_344, %dma_start3A_345] : memref<1000000x64xf32, #tpu.memory_space<hbm>> -> memref<1000000x64xf32, #tpu.memory_space<hbm>>
      tpu.enqueue_indirect_dma source(%dma_start3A_346 : memref<1000000x64xf32, #tpu.memory_space<hbm>>) target(%arg9 : memref<128x64xf32, #tpu.memory_space<vmem>>) offsets(%dma_start3A_343 : memref<128xi32, #tpu.memory_space<vmem>>) semaphore(%arg18 : memref<!tpu.dma_semaphore, #tpu.memory_space<semaphore_mem>>)
      %mul3A_347 = arith.constant 8 : i32
      %mul3A_348 = arith.muli %scan3A_222, %mul3A_347 : i32
      %add3A_349 = arith.constant 4 : i32
      %add3A_350 = arith.addi %mul3A_348, %add3A_349 : i32
      %dma_wait3A_351 = arith.constant 0 : i32
      %dma_wait3A_352 = arith.constant 0 : i32
      %dma_wait3A_353 = tpu.memref_slice %arg3[%dma_wait3A_351, %dma_wait3A_352] : memref<1000000x64xf32, #tpu.memory_space<hbm>> -> memref<128x64xf32, #tpu.memory_space<hbm>>
      %dma_wait3A_354 = arith.constant 0 : i32
      %dma_wait3A_355 = arith.constant 0 : i32
      %dma_wait3A_356 = tpu.memref_slice %arg3[%dma_wait3A_354, %dma_wait3A_355] : memref<1000000x64xf32, #tpu.memory_space<hbm>> -> memref<128x64xf32, #tpu.memory_space<hbm>>
      tpu.wait_dma2 semaphore(%arg19 : memref<!tpu.dma_semaphore, #tpu.memory_space<semaphore_mem>>) src(%dma_wait3A_356 : memref<128x64xf32, #tpu.memory_space<hbm>>) dst(%arg10 : memref<128x64xf32, #tpu.memory_space<vmem>>)
      %mul3A_357 = arith.constant 128 : i32
      %mul3A_358 = arith.muli %add3A_350, %mul3A_357 : i32
      %add3A_359 = arith.addi %mul3A_2, %mul3A_358 : i32
      %dma_start3A_360 = arith.constant 0 : i32
      %dma_start3A_361 = tpu.memref_slice %arg4[%add3A_359, %dma_start3A_360] : memref<327680x64xf32, #tpu.memory_space<hbm>> -> memref<128x64xf32, #tpu.memory_space<hbm>>
      %dma_start3A_362 = arith.constant 0 : i32
      %dma_start3A_363 = tpu.memref_slice %arg4[%add3A_359, %dma_start3A_362] : memref<327680x64xf32, #tpu.memory_space<hbm>> -> memref<128x64xf32, #tpu.memory_space<hbm>>
      tpu.enqueue_dma source(%arg10 : memref<128x64xf32, #tpu.memory_space<vmem>>) target(%dma_start3A_363 : memref<128x64xf32, #tpu.memory_space<hbm>>) target_semaphore(%arg27 : memref<!tpu.dma_semaphore, #tpu.memory_space<semaphore_mem>>)
      %dma_wait3A_364 = arith.constant 0 : i32
      %dma_wait3A_365 = arith.constant 0 : i32
      %dma_wait3A_366 = tpu.memref_slice %arg3[%dma_wait3A_364, %dma_wait3A_365] : memref<1000000x64xf32, #tpu.memory_space<hbm>> -> memref<128x64xf32, #tpu.memory_space<hbm>>
      %dma_wait3A_367 = arith.constant 0 : i32
      %dma_wait3A_368 = arith.constant 0 : i32
      %dma_wait3A_369 = tpu.memref_slice %arg3[%dma_wait3A_367, %dma_wait3A_368] : memref<1000000x64xf32, #tpu.memory_space<hbm>> -> memref<128x64xf32, #tpu.memory_space<hbm>>
      tpu.wait_dma2 semaphore(%arg27 : memref<!tpu.dma_semaphore, #tpu.memory_space<semaphore_mem>>) src(%dma_wait3A_369 : memref<128x64xf32, #tpu.memory_space<hbm>>) dst(%arg10 : memref<128x64xf32, #tpu.memory_space<vmem>>)
      %add3A_370 = arith.constant 8 : i32
      %add3A_371 = arith.addi %add3A_350, %add3A_370 : i32
      %dma_start3A_372 = arith.constant 0 : i32
      %dma_start3A_373 = tpu.memref_slice %arg5[%add3A_371, %dma_start3A_372] : memref<80x128xi32, #tpu.memory_space<vmem>> -> memref<1x128xi32, #tpu.memory_space<vmem>>
      %dma_start3A_374 = tpu.memref_squeeze %dma_start3A_373 : memref<1x128xi32, #tpu.memory_space<vmem>> -> memref<128xi32, #tpu.memory_space<vmem>>
      %dma_start3A_375 = arith.constant 0 : i32
      %dma_start3A_376 = arith.constant 0 : i32
      %dma_start3A_377 = tpu.memref_slice %arg3[%dma_start3A_375, %dma_start3A_376] : memref<1000000x64xf32, #tpu.memory_space<hbm>> -> memref<1000000x64xf32, #tpu.memory_space<hbm>>
      tpu.enqueue_indirect_dma source(%dma_start3A_377 : memref<1000000x64xf32, #tpu.memory_space<hbm>>) target(%arg10 : memref<128x64xf32, #tpu.memory_space<vmem>>) offsets(%dma_start3A_374 : memref<128xi32, #tpu.memory_space<vmem>>) semaphore(%arg19 : memref<!tpu.dma_semaphore, #tpu.memory_space<semaphore_mem>>)
      %mul3A_378 = arith.constant 8 : i32
      %mul3A_379 = arith.muli %scan3A_222, %mul3A_378 : i32
      %add3A_380 = arith.constant 5 : i32
      %add3A_381 = arith.addi %mul3A_379, %add3A_380 : i32
      %dma_wait3A_382 = arith.constant 0 : i32
      %dma_wait3A_383 = arith.constant 0 : i32
      %dma_wait3A_384 = tpu.memref_slice %arg3[%dma_wait3A_382, %dma_wait3A_383] : memref<1000000x64xf32, #tpu.memory_space<hbm>> -> memref<128x64xf32, #tpu.memory_space<hbm>>
      %dma_wait3A_385 = arith.constant 0 : i32
      %dma_wait3A_386 = arith.constant 0 : i32
      %dma_wait3A_387 = tpu.memref_slice %arg3[%dma_wait3A_385, %dma_wait3A_386] : memref<1000000x64xf32, #tpu.memory_space<hbm>> -> memref<128x64xf32, #tpu.memory_space<hbm>>
      tpu.wait_dma2 semaphore(%arg20 : memref<!tpu.dma_semaphore, #tpu.memory_space<semaphore_mem>>) src(%dma_wait3A_387 : memref<128x64xf32, #tpu.memory_space<hbm>>) dst(%arg11 : memref<128x64xf32, #tpu.memory_space<vmem>>)
      %mul3A_388 = arith.constant 128 : i32
      %mul3A_389 = arith.muli %add3A_381, %mul3A_388 : i32
      %add3A_390 = arith.addi %mul3A_2, %mul3A_389 : i32
      %dma_start3A_391 = arith.constant 0 : i32
      %dma_start3A_392 = tpu.memref_slice %arg4[%add3A_390, %dma_start3A_391] : memref<327680x64xf32, #tpu.memory_space<hbm>> -> memref<128x64xf32, #tpu.memory_space<hbm>>
      %dma_start3A_393 = arith.constant 0 : i32
      %dma_start3A_394 = tpu.memref_slice %arg4[%add3A_390, %dma_start3A_393] : memref<327680x64xf32, #tpu.memory_space<hbm>> -> memref<128x64xf32, #tpu.memory_space<hbm>>
      tpu.enqueue_dma source(%arg11 : memref<128x64xf32, #tpu.memory_space<vmem>>) target(%dma_start3A_394 : memref<128x64xf32, #tpu.memory_space<hbm>>) target_semaphore(%arg28 : memref<!tpu.dma_semaphore, #tpu.memory_space<semaphore_mem>>)
      %dma_wait3A_395 = arith.constant 0 : i32
      %dma_wait3A_396 = arith.constant 0 : i32
      %dma_wait3A_397 = tpu.memref_slice %arg3[%dma_wait3A_395, %dma_wait3A_396] : memref<1000000x64xf32, #tpu.memory_space<hbm>> -> memref<128x64xf32, #tpu.memory_space<hbm>>
      %dma_wait3A_398 = arith.constant 0 : i32
      %dma_wait3A_399 = arith.constant 0 : i32
      %dma_wait3A_400 = tpu.memref_slice %arg3[%dma_wait3A_398, %dma_wait3A_399] : memref<1000000x64xf32, #tpu.memory_space<hbm>> -> memref<128x64xf32, #tpu.memory_space<hbm>>
      tpu.wait_dma2 semaphore(%arg28 : memref<!tpu.dma_semaphore, #tpu.memory_space<semaphore_mem>>) src(%dma_wait3A_400 : memref<128x64xf32, #tpu.memory_space<hbm>>) dst(%arg11 : memref<128x64xf32, #tpu.memory_space<vmem>>)
      %add3A_401 = arith.constant 8 : i32
      %add3A_402 = arith.addi %add3A_381, %add3A_401 : i32
      %dma_start3A_403 = arith.constant 0 : i32
      %dma_start3A_404 = tpu.memref_slice %arg5[%add3A_402, %dma_start3A_403] : memref<80x128xi32, #tpu.memory_space<vmem>> -> memref<1x128xi32, #tpu.memory_space<vmem>>
      %dma_start3A_405 = tpu.memref_squeeze %dma_start3A_404 : memref<1x128xi32, #tpu.memory_space<vmem>> -> memref<128xi32, #tpu.memory_space<vmem>>
      %dma_start3A_406 = arith.constant 0 : i32
      %dma_start3A_407 = arith.constant 0 : i32
      %dma_start3A_408 = tpu.memref_slice %arg3[%dma_start3A_406, %dma_start3A_407] : memref<1000000x64xf32, #tpu.memory_space<hbm>> -> memref<1000000x64xf32, #tpu.memory_space<hbm>>
      tpu.enqueue_indirect_dma source(%dma_start3A_408 : memref<1000000x64xf32, #tpu.memory_space<hbm>>) target(%arg11 : memref<128x64xf32, #tpu.memory_space<vmem>>) offsets(%dma_start3A_405 : memref<128xi32, #tpu.memory_space<vmem>>) semaphore(%arg20 : memref<!tpu.dma_semaphore, #tpu.memory_space<semaphore_mem>>)
      %mul3A_409 = arith.constant 8 : i32
      %mul3A_410 = arith.muli %scan3A_222, %mul3A_409 : i32
      %add3A_411 = arith.constant 6 : i32
      %add3A_412 = arith.addi %mul3A_410, %add3A_411 : i32
      %dma_wait3A_413 = arith.constant 0 : i32
      %dma_wait3A_414 = arith.constant 0 : i32
      %dma_wait3A_415 = tpu.memref_slice %arg3[%dma_wait3A_413, %dma_wait3A_414] : memref<1000000x64xf32, #tpu.memory_space<hbm>> -> memref<128x64xf32, #tpu.memory_space<hbm>>
      %dma_wait3A_416 = arith.constant 0 : i32
      %dma_wait3A_417 = arith.constant 0 : i32
      %dma_wait3A_418 = tpu.memref_slice %arg3[%dma_wait3A_416, %dma_wait3A_417] : memref<1000000x64xf32, #tpu.memory_space<hbm>> -> memref<128x64xf32, #tpu.memory_space<hbm>>
      tpu.wait_dma2 semaphore(%arg21 : memref<!tpu.dma_semaphore, #tpu.memory_space<semaphore_mem>>) src(%dma_wait3A_418 : memref<128x64xf32, #tpu.memory_space<hbm>>) dst(%arg12 : memref<128x64xf32, #tpu.memory_space<vmem>>)
      %mul3A_419 = arith.constant 128 : i32
      %mul3A_420 = arith.muli %add3A_412, %mul3A_419 : i32
      %add3A_421 = arith.addi %mul3A_2, %mul3A_420 : i32
      %dma_start3A_422 = arith.constant 0 : i32
      %dma_start3A_423 = tpu.memref_slice %arg4[%add3A_421, %dma_start3A_422] : memref<327680x64xf32, #tpu.memory_space<hbm>> -> memref<128x64xf32, #tpu.memory_space<hbm>>
      %dma_start3A_424 = arith.constant 0 : i32
      %dma_start3A_425 = tpu.memref_slice %arg4[%add3A_421, %dma_start3A_424] : memref<327680x64xf32, #tpu.memory_space<hbm>> -> memref<128x64xf32, #tpu.memory_space<hbm>>
      tpu.enqueue_dma source(%arg12 : memref<128x64xf32, #tpu.memory_space<vmem>>) target(%dma_start3A_425 : memref<128x64xf32, #tpu.memory_space<hbm>>) target_semaphore(%arg29 : memref<!tpu.dma_semaphore, #tpu.memory_space<semaphore_mem>>)
      %dma_wait3A_426 = arith.constant 0 : i32
      %dma_wait3A_427 = arith.constant 0 : i32
      %dma_wait3A_428 = tpu.memref_slice %arg3[%dma_wait3A_426, %dma_wait3A_427] : memref<1000000x64xf32, #tpu.memory_space<hbm>> -> memref<128x64xf32, #tpu.memory_space<hbm>>
      %dma_wait3A_429 = arith.constant 0 : i32
      %dma_wait3A_430 = arith.constant 0 : i32
      %dma_wait3A_431 = tpu.memref_slice %arg3[%dma_wait3A_429, %dma_wait3A_430] : memref<1000000x64xf32, #tpu.memory_space<hbm>> -> memref<128x64xf32, #tpu.memory_space<hbm>>
      tpu.wait_dma2 semaphore(%arg29 : memref<!tpu.dma_semaphore, #tpu.memory_space<semaphore_mem>>) src(%dma_wait3A_431 : memref<128x64xf32, #tpu.memory_space<hbm>>) dst(%arg12 : memref<128x64xf32, #tpu.memory_space<vmem>>)
      %add3A_432 = arith.constant 8 : i32
      %add3A_433 = arith.addi %add3A_412, %add3A_432 : i32
      %dma_start3A_434 = arith.constant 0 : i32
      %dma_start3A_435 = tpu.memref_slice %arg5[%add3A_433, %dma_start3A_434] : memref<80x128xi32, #tpu.memory_space<vmem>> -> memref<1x128xi32, #tpu.memory_space<vmem>>
      %dma_start3A_436 = tpu.memref_squeeze %dma_start3A_435 : memref<1x128xi32, #tpu.memory_space<vmem>> -> memref<128xi32, #tpu.memory_space<vmem>>
      %dma_start3A_437 = arith.constant 0 : i32
      %dma_start3A_438 = arith.constant 0 : i32
      %dma_start3A_439 = tpu.memref_slice %arg3[%dma_start3A_437, %dma_start3A_438] : memref<1000000x64xf32, #tpu.memory_space<hbm>> -> memref<1000000x64xf32, #tpu.memory_space<hbm>>
      tpu.enqueue_indirect_dma source(%dma_start3A_439 : memref<1000000x64xf32, #tpu.memory_space<hbm>>) target(%arg12 : memref<128x64xf32, #tpu.memory_space<vmem>>) offsets(%dma_start3A_436 : memref<128xi32, #tpu.memory_space<vmem>>) semaphore(%arg21 : memref<!tpu.dma_semaphore, #tpu.memory_space<semaphore_mem>>)
      %mul3A_440 = arith.constant 8 : i32
      %mul3A_441 = arith.muli %scan3A_222, %mul3A_440 : i32
      %add3A_442 = arith.constant 7 : i32
      %add3A_443 = arith.addi %mul3A_441, %add3A_442 : i32
      %dma_wait3A_444 = arith.constant 0 : i32
      %dma_wait3A_445 = arith.constant 0 : i32
      %dma_wait3A_446 = tpu.memref_slice %arg3[%dma_wait3A_444, %dma_wait3A_445] : memref<1000000x64xf32, #tpu.memory_space<hbm>> -> memref<128x64xf32, #tpu.memory_space<hbm>>
      %dma_wait3A_447 = arith.constant 0 : i32
      %dma_wait3A_448 = arith.constant 0 : i32
      %dma_wait3A_449 = tpu.memref_slice %arg3[%dma_wait3A_447, %dma_wait3A_448] : memref<1000000x64xf32, #tpu.memory_space<hbm>> -> memref<128x64xf32, #tpu.memory_space<hbm>>
      tpu.wait_dma2 semaphore(%arg22 : memref<!tpu.dma_semaphore, #tpu.memory_space<semaphore_mem>>) src(%dma_wait3A_449 : memref<128x64xf32, #tpu.memory_space<hbm>>) dst(%arg13 : memref<128x64xf32, #tpu.memory_space<vmem>>)
      %mul3A_450 = arith.constant 128 : i32
      %mul3A_451 = arith.muli %add3A_443, %mul3A_450 : i32
      %add3A_452 = arith.addi %mul3A_2, %mul3A_451 : i32
      %dma_start3A_453 = arith.constant 0 : i32
      %dma_start3A_454 = tpu.memref_slice %arg4[%add3A_452, %dma_start3A_453] : memref<327680x64xf32, #tpu.memory_space<hbm>> -> memref<128x64xf32, #tpu.memory_space<hbm>>
      %dma_start3A_455 = arith.constant 0 : i32
      %dma_start3A_456 = tpu.memref_slice %arg4[%add3A_452, %dma_start3A_455] : memref<327680x64xf32, #tpu.memory_space<hbm>> -> memref<128x64xf32, #tpu.memory_space<hbm>>
      tpu.enqueue_dma source(%arg13 : memref<128x64xf32, #tpu.memory_space<vmem>>) target(%dma_start3A_456 : memref<128x64xf32, #tpu.memory_space<hbm>>) target_semaphore(%arg30 : memref<!tpu.dma_semaphore, #tpu.memory_space<semaphore_mem>>)
      %dma_wait3A_457 = arith.constant 0 : i32
      %dma_wait3A_458 = arith.constant 0 : i32
      %dma_wait3A_459 = tpu.memref_slice %arg3[%dma_wait3A_457, %dma_wait3A_458] : memref<1000000x64xf32, #tpu.memory_space<hbm>> -> memref<128x64xf32, #tpu.memory_space<hbm>>
      %dma_wait3A_460 = arith.constant 0 : i32
      %dma_wait3A_461 = arith.constant 0 : i32
      %dma_wait3A_462 = tpu.memref_slice %arg3[%dma_wait3A_460, %dma_wait3A_461] : memref<1000000x64xf32, #tpu.memory_space<hbm>> -> memref<128x64xf32, #tpu.memory_space<hbm>>
      tpu.wait_dma2 semaphore(%arg30 : memref<!tpu.dma_semaphore, #tpu.memory_space<semaphore_mem>>) src(%dma_wait3A_462 : memref<128x64xf32, #tpu.memory_space<hbm>>) dst(%arg13 : memref<128x64xf32, #tpu.memory_space<vmem>>)
      %add3A_463 = arith.constant 8 : i32
      %add3A_464 = arith.addi %add3A_443, %add3A_463 : i32
      %dma_start3A_465 = arith.constant 0 : i32
      %dma_start3A_466 = tpu.memref_slice %arg5[%add3A_464, %dma_start3A_465] : memref<80x128xi32, #tpu.memory_space<vmem>> -> memref<1x128xi32, #tpu.memory_space<vmem>>
      %dma_start3A_467 = tpu.memref_squeeze %dma_start3A_466 : memref<1x128xi32, #tpu.memory_space<vmem>> -> memref<128xi32, #tpu.memory_space<vmem>>
      %dma_start3A_468 = arith.constant 0 : i32
      %dma_start3A_469 = arith.constant 0 : i32
      %dma_start3A_470 = tpu.memref_slice %arg3[%dma_start3A_468, %dma_start3A_469] : memref<1000000x64xf32, #tpu.memory_space<hbm>> -> memref<1000000x64xf32, #tpu.memory_space<hbm>>
      tpu.enqueue_indirect_dma source(%dma_start3A_470 : memref<1000000x64xf32, #tpu.memory_space<hbm>>) target(%arg13 : memref<128x64xf32, #tpu.memory_space<vmem>>) offsets(%dma_start3A_467 : memref<128xi32, #tpu.memory_space<vmem>>) semaphore(%arg22 : memref<!tpu.dma_semaphore, #tpu.memory_space<semaphore_mem>>)
    }
    %scan3A_77 = arith.constant 9 : i32
    %dma_wait3A_78 = arith.constant 0 : i32
    %dma_wait3A_79 = arith.constant 0 : i32
    %dma_wait3A_80 = tpu.memref_slice %arg3[%dma_wait3A_78, %dma_wait3A_79] : memref<1000000x64xf32, #tpu.memory_space<hbm>> -> memref<128x64xf32, #tpu.memory_space<hbm>>
    %dma_wait3A_81 = arith.constant 0 : i32
    %dma_wait3A_82 = arith.constant 0 : i32
    %dma_wait3A_83 = tpu.memref_slice %arg3[%dma_wait3A_81, %dma_wait3A_82] : memref<1000000x64xf32, #tpu.memory_space<hbm>> -> memref<128x64xf32, #tpu.memory_space<hbm>>
    tpu.wait_dma2 semaphore(%arg15 : memref<!tpu.dma_semaphore, #tpu.memory_space<semaphore_mem>>) src(%dma_wait3A_83 : memref<128x64xf32, #tpu.memory_space<hbm>>) dst(%arg6 : memref<128x64xf32, #tpu.memory_space<vmem>>)
    %add3A_84 = arith.constant 9216 : i32
    %add3A_85 = arith.addi %mul3A_2, %add3A_84 : i32
    %dma_start3A_86 = arith.constant 0 : i32
    %dma_start3A_87 = tpu.memref_slice %arg4[%add3A_85, %dma_start3A_86] : memref<327680x64xf32, #tpu.memory_space<hbm>> -> memref<128x64xf32, #tpu.memory_space<hbm>>
    %dma_start3A_88 = arith.constant 0 : i32
    %dma_start3A_89 = tpu.memref_slice %arg4[%add3A_85, %dma_start3A_88] : memref<327680x64xf32, #tpu.memory_space<hbm>> -> memref<128x64xf32, #tpu.memory_space<hbm>>
    tpu.enqueue_dma source(%arg6 : memref<128x64xf32, #tpu.memory_space<vmem>>) target(%dma_start3A_89 : memref<128x64xf32, #tpu.memory_space<hbm>>) target_semaphore(%arg23 : memref<!tpu.dma_semaphore, #tpu.memory_space<semaphore_mem>>)
    %dma_wait3A_90 = arith.constant 0 : i32
    %dma_wait3A_91 = arith.constant 0 : i32
    %dma_wait3A_92 = tpu.memref_slice %arg3[%dma_wait3A_90, %dma_wait3A_91] : memref<1000000x64xf32, #tpu.memory_space<hbm>> -> memref<128x64xf32, #tpu.memory_space<hbm>>
    %dma_wait3A_93 = arith.constant 0 : i32
    %dma_wait3A_94 = arith.constant 0 : i32
    %dma_wait3A_95 = tpu.memref_slice %arg3[%dma_wait3A_93, %dma_wait3A_94] : memref<1000000x64xf32, #tpu.memory_space<hbm>> -> memref<128x64xf32, #tpu.memory_space<hbm>>
    tpu.wait_dma2 semaphore(%arg23 : memref<!tpu.dma_semaphore, #tpu.memory_space<semaphore_mem>>) src(%dma_wait3A_95 : memref<128x64xf32, #tpu.memory_space<hbm>>) dst(%arg6 : memref<128x64xf32, #tpu.memory_space<vmem>>)
    %dma_wait3A_96 = arith.constant 0 : i32
    %dma_wait3A_97 = arith.constant 0 : i32
    %dma_wait3A_98 = tpu.memref_slice %arg3[%dma_wait3A_96, %dma_wait3A_97] : memref<1000000x64xf32, #tpu.memory_space<hbm>> -> memref<128x64xf32, #tpu.memory_space<hbm>>
    %dma_wait3A_99 = arith.constant 0 : i32
    %dma_wait3A_100 = arith.constant 0 : i32
    %dma_wait3A_101 = tpu.memref_slice %arg3[%dma_wait3A_99, %dma_wait3A_100] : memref<1000000x64xf32, #tpu.memory_space<hbm>> -> memref<128x64xf32, #tpu.memory_space<hbm>>
    tpu.wait_dma2 semaphore(%arg16 : memref<!tpu.dma_semaphore, #tpu.memory_space<semaphore_mem>>) src(%dma_wait3A_101 : memref<128x64xf32, #tpu.memory_space<hbm>>) dst(%arg7 : memref<128x64xf32, #tpu.memory_space<vmem>>)
    %add3A_102 = arith.constant 9344 : i32
    %add3A_103 = arith.addi %mul3A_2, %add3A_102 : i32
    %dma_start3A_104 = arith.constant 0 : i32
    %dma_start3A_105 = tpu.memref_slice %arg4[%add3A_103, %dma_start3A_104] : memref<327680x64xf32, #tpu.memory_space<hbm>> -> memref<128x64xf32, #tpu.memory_space<hbm>>
    %dma_start3A_106 = arith.constant 0 : i32
    %dma_start3A_107 = tpu.memref_slice %arg4[%add3A_103, %dma_start3A_106] : memref<327680x64xf32, #tpu.memory_space<hbm>> -> memref<128x64xf32, #tpu.memory_space<hbm>>
    tpu.enqueue_dma source(%arg7 : memref<128x64xf32, #tpu.memory_space<vmem>>) target(%dma_start3A_107 : memref<128x64xf32, #tpu.memory_space<hbm>>) target_semaphore(%arg24 : memref<!tpu.dma_semaphore, #tpu.memory_space<semaphore_mem>>)
    %dma_wait3A_108 = arith.constant 0 : i32
    %dma_wait3A_109 = arith.constant 0 : i32
    %dma_wait3A_110 = tpu.memref_slice %arg3[%dma_wait3A_108, %dma_wait3A_109] : memref<1000000x64xf32, #tpu.memory_space<hbm>> -> memref<128x64xf32, #tpu.memory_space<hbm>>
    %dma_wait3A_111 = arith.constant 0 : i32
    %dma_wait3A_112 = arith.constant 0 : i32
    %dma_wait3A_113 = tpu.memref_slice %arg3[%dma_wait3A_111, %dma_wait3A_112] : memref<1000000x64xf32, #tpu.memory_space<hbm>> -> memref<128x64xf32, #tpu.memory_space<hbm>>
    tpu.wait_dma2 semaphore(%arg24 : memref<!tpu.dma_semaphore, #tpu.memory_space<semaphore_mem>>) src(%dma_wait3A_113 : memref<128x64xf32, #tpu.memory_space<hbm>>) dst(%arg7 : memref<128x64xf32, #tpu.memory_space<vmem>>)
    %dma_wait3A_114 = arith.constant 0 : i32
    %dma_wait3A_115 = arith.constant 0 : i32
    %dma_wait3A_116 = tpu.memref_slice %arg3[%dma_wait3A_114, %dma_wait3A_115] : memref<1000000x64xf32, #tpu.memory_space<hbm>> -> memref<128x64xf32, #tpu.memory_space<hbm>>
    %dma_wait3A_117 = arith.constant 0 : i32
    %dma_wait3A_118 = arith.constant 0 : i32
    %dma_wait3A_119 = tpu.memref_slice %arg3[%dma_wait3A_117, %dma_wait3A_118] : memref<1000000x64xf32, #tpu.memory_space<hbm>> -> memref<128x64xf32, #tpu.memory_space<hbm>>
    tpu.wait_dma2 semaphore(%arg17 : memref<!tpu.dma_semaphore, #tpu.memory_space<semaphore_mem>>) src(%dma_wait3A_119 : memref<128x64xf32, #tpu.memory_space<hbm>>) dst(%arg8 : memref<128x64xf32, #tpu.memory_space<vmem>>)
    %add3A_120 = arith.constant 9472 : i32
    %add3A_121 = arith.addi %mul3A_2, %add3A_120 : i32
    %dma_start3A_122 = arith.constant 0 : i32
    %dma_start3A_123 = tpu.memref_slice %arg4[%add3A_121, %dma_start3A_122] : memref<327680x64xf32, #tpu.memory_space<hbm>> -> memref<128x64xf32, #tpu.memory_space<hbm>>
    %dma_start3A_124 = arith.constant 0 : i32
    %dma_start3A_125 = tpu.memref_slice %arg4[%add3A_121, %dma_start3A_124] : memref<327680x64xf32, #tpu.memory_space<hbm>> -> memref<128x64xf32, #tpu.memory_space<hbm>>
    tpu.enqueue_dma source(%arg8 : memref<128x64xf32, #tpu.memory_space<vmem>>) target(%dma_start3A_125 : memref<128x64xf32, #tpu.memory_space<hbm>>) target_semaphore(%arg25 : memref<!tpu.dma_semaphore, #tpu.memory_space<semaphore_mem>>)
    %dma_wait3A_126 = arith.constant 0 : i32
    %dma_wait3A_127 = arith.constant 0 : i32
    %dma_wait3A_128 = tpu.memref_slice %arg3[%dma_wait3A_126, %dma_wait3A_127] : memref<1000000x64xf32, #tpu.memory_space<hbm>> -> memref<128x64xf32, #tpu.memory_space<hbm>>
    %dma_wait3A_129 = arith.constant 0 : i32
    %dma_wait3A_130 = arith.constant 0 : i32
    %dma_wait3A_131 = tpu.memref_slice %arg3[%dma_wait3A_129, %dma_wait3A_130] : memref<1000000x64xf32, #tpu.memory_space<hbm>> -> memref<128x64xf32, #tpu.memory_space<hbm>>
    tpu.wait_dma2 semaphore(%arg25 : memref<!tpu.dma_semaphore, #tpu.memory_space<semaphore_mem>>) src(%dma_wait3A_131 : memref<128x64xf32, #tpu.memory_space<hbm>>) dst(%arg8 : memref<128x64xf32, #tpu.memory_space<vmem>>)
    %dma_wait3A_132 = arith.constant 0 : i32
    %dma_wait3A_133 = arith.constant 0 : i32
    %dma_wait3A_134 = tpu.memref_slice %arg3[%dma_wait3A_132, %dma_wait3A_133] : memref<1000000x64xf32, #tpu.memory_space<hbm>> -> memref<128x64xf32, #tpu.memory_space<hbm>>
    %dma_wait3A_135 = arith.constant 0 : i32
    %dma_wait3A_136 = arith.constant 0 : i32
    %dma_wait3A_137 = tpu.memref_slice %arg3[%dma_wait3A_135, %dma_wait3A_136] : memref<1000000x64xf32, #tpu.memory_space<hbm>> -> memref<128x64xf32, #tpu.memory_space<hbm>>
    tpu.wait_dma2 semaphore(%arg18 : memref<!tpu.dma_semaphore, #tpu.memory_space<semaphore_mem>>) src(%dma_wait3A_137 : memref<128x64xf32, #tpu.memory_space<hbm>>) dst(%arg9 : memref<128x64xf32, #tpu.memory_space<vmem>>)
    %add3A_138 = arith.constant 9600 : i32
    %add3A_139 = arith.addi %mul3A_2, %add3A_138 : i32
    %dma_start3A_140 = arith.constant 0 : i32
    %dma_start3A_141 = tpu.memref_slice %arg4[%add3A_139, %dma_start3A_140] : memref<327680x64xf32, #tpu.memory_space<hbm>> -> memref<128x64xf32, #tpu.memory_space<hbm>>
    %dma_start3A_142 = arith.constant 0 : i32
    %dma_start3A_143 = tpu.memref_slice %arg4[%add3A_139, %dma_start3A_142] : memref<327680x64xf32, #tpu.memory_space<hbm>> -> memref<128x64xf32, #tpu.memory_space<hbm>>
    tpu.enqueue_dma source(%arg9 : memref<128x64xf32, #tpu.memory_space<vmem>>) target(%dma_start3A_143 : memref<128x64xf32, #tpu.memory_space<hbm>>) target_semaphore(%arg26 : memref<!tpu.dma_semaphore, #tpu.memory_space<semaphore_mem>>)
    %dma_wait3A_144 = arith.constant 0 : i32
    %dma_wait3A_145 = arith.constant 0 : i32
    %dma_wait3A_146 = tpu.memref_slice %arg3[%dma_wait3A_144, %dma_wait3A_145] : memref<1000000x64xf32, #tpu.memory_space<hbm>> -> memref<128x64xf32, #tpu.memory_space<hbm>>
    %dma_wait3A_147 = arith.constant 0 : i32
    %dma_wait3A_148 = arith.constant 0 : i32
    %dma_wait3A_149 = tpu.memref_slice %arg3[%dma_wait3A_147, %dma_wait3A_148] : memref<1000000x64xf32, #tpu.memory_space<hbm>> -> memref<128x64xf32, #tpu.memory_space<hbm>>
    tpu.wait_dma2 semaphore(%arg26 : memref<!tpu.dma_semaphore, #tpu.memory_space<semaphore_mem>>) src(%dma_wait3A_149 : memref<128x64xf32, #tpu.memory_space<hbm>>) dst(%arg9 : memref<128x64xf32, #tpu.memory_space<vmem>>)
    %dma_wait3A_150 = arith.constant 0 : i32
    %dma_wait3A_151 = arith.constant 0 : i32
    %dma_wait3A_152 = tpu.memref_slice %arg3[%dma_wait3A_150, %dma_wait3A_151] : memref<1000000x64xf32, #tpu.memory_space<hbm>> -> memref<128x64xf32, #tpu.memory_space<hbm>>
    %dma_wait3A_153 = arith.constant 0 : i32
    %dma_wait3A_154 = arith.constant 0 : i32
    %dma_wait3A_155 = tpu.memref_slice %arg3[%dma_wait3A_153, %dma_wait3A_154] : memref<1000000x64xf32, #tpu.memory_space<hbm>> -> memref<128x64xf32, #tpu.memory_space<hbm>>
    tpu.wait_dma2 semaphore(%arg19 : memref<!tpu.dma_semaphore, #tpu.memory_space<semaphore_mem>>) src(%dma_wait3A_155 : memref<128x64xf32, #tpu.memory_space<hbm>>) dst(%arg10 : memref<128x64xf32, #tpu.memory_space<vmem>>)
    %add3A_156 = arith.constant 9728 : i32
    %add3A_157 = arith.addi %mul3A_2, %add3A_156 : i32
    %dma_start3A_158 = arith.constant 0 : i32
    %dma_start3A_159 = tpu.memref_slice %arg4[%add3A_157, %dma_start3A_158] : memref<327680x64xf32, #tpu.memory_space<hbm>> -> memref<128x64xf32, #tpu.memory_space<hbm>>
    %dma_start3A_160 = arith.constant 0 : i32
    %dma_start3A_161 = tpu.memref_slice %arg4[%add3A_157, %dma_start3A_160] : memref<327680x64xf32, #tpu.memory_space<hbm>> -> memref<128x64xf32, #tpu.memory_space<hbm>>
    tpu.enqueue_dma source(%arg10 : memref<128x64xf32, #tpu.memory_space<vmem>>) target(%dma_start3A_161 : memref<128x64xf32, #tpu.memory_space<hbm>>) target_semaphore(%arg27 : memref<!tpu.dma_semaphore, #tpu.memory_space<semaphore_mem>>)
    %dma_wait3A_162 = arith.constant 0 : i32
    %dma_wait3A_163 = arith.constant 0 : i32
    %dma_wait3A_164 = tpu.memref_slice %arg3[%dma_wait3A_162, %dma_wait3A_163] : memref<1000000x64xf32, #tpu.memory_space<hbm>> -> memref<128x64xf32, #tpu.memory_space<hbm>>
    %dma_wait3A_165 = arith.constant 0 : i32
    %dma_wait3A_166 = arith.constant 0 : i32
    %dma_wait3A_167 = tpu.memref_slice %arg3[%dma_wait3A_165, %dma_wait3A_166] : memref<1000000x64xf32, #tpu.memory_space<hbm>> -> memref<128x64xf32, #tpu.memory_space<hbm>>
    tpu.wait_dma2 semaphore(%arg27 : memref<!tpu.dma_semaphore, #tpu.memory_space<semaphore_mem>>) src(%dma_wait3A_167 : memref<128x64xf32, #tpu.memory_space<hbm>>) dst(%arg10 : memref<128x64xf32, #tpu.memory_space<vmem>>)
    %dma_wait3A_168 = arith.constant 0 : i32
    %dma_wait3A_169 = arith.constant 0 : i32
    %dma_wait3A_170 = tpu.memref_slice %arg3[%dma_wait3A_168, %dma_wait3A_169] : memref<1000000x64xf32, #tpu.memory_space<hbm>> -> memref<128x64xf32, #tpu.memory_space<hbm>>
    %dma_wait3A_171 = arith.constant 0 : i32
    %dma_wait3A_172 = arith.constant 0 : i32
    %dma_wait3A_173 = tpu.memref_slice %arg3[%dma_wait3A_171, %dma_wait3A_172] : memref<1000000x64xf32, #tpu.memory_space<hbm>> -> memref<128x64xf32, #tpu.memory_space<hbm>>
    tpu.wait_dma2 semaphore(%arg20 : memref<!tpu.dma_semaphore, #tpu.memory_space<semaphore_mem>>) src(%dma_wait3A_173 : memref<128x64xf32, #tpu.memory_space<hbm>>) dst(%arg11 : memref<128x64xf32, #tpu.memory_space<vmem>>)
    %add3A_174 = arith.constant 9856 : i32
    %add3A_175 = arith.addi %mul3A_2, %add3A_174 : i32
    %dma_start3A_176 = arith.constant 0 : i32
    %dma_start3A_177 = tpu.memref_slice %arg4[%add3A_175, %dma_start3A_176] : memref<327680x64xf32, #tpu.memory_space<hbm>> -> memref<128x64xf32, #tpu.memory_space<hbm>>
    %dma_start3A_178 = arith.constant 0 : i32
    %dma_start3A_179 = tpu.memref_slice %arg4[%add3A_175, %dma_start3A_178] : memref<327680x64xf32, #tpu.memory_space<hbm>> -> memref<128x64xf32, #tpu.memory_space<hbm>>
    tpu.enqueue_dma source(%arg11 : memref<128x64xf32, #tpu.memory_space<vmem>>) target(%dma_start3A_179 : memref<128x64xf32, #tpu.memory_space<hbm>>) target_semaphore(%arg28 : memref<!tpu.dma_semaphore, #tpu.memory_space<semaphore_mem>>)
    %dma_wait3A_180 = arith.constant 0 : i32
    %dma_wait3A_181 = arith.constant 0 : i32
    %dma_wait3A_182 = tpu.memref_slice %arg3[%dma_wait3A_180, %dma_wait3A_181] : memref<1000000x64xf32, #tpu.memory_space<hbm>> -> memref<128x64xf32, #tpu.memory_space<hbm>>
    %dma_wait3A_183 = arith.constant 0 : i32
    %dma_wait3A_184 = arith.constant 0 : i32
    %dma_wait3A_185 = tpu.memref_slice %arg3[%dma_wait3A_183, %dma_wait3A_184] : memref<1000000x64xf32, #tpu.memory_space<hbm>> -> memref<128x64xf32, #tpu.memory_space<hbm>>
    tpu.wait_dma2 semaphore(%arg28 : memref<!tpu.dma_semaphore, #tpu.memory_space<semaphore_mem>>) src(%dma_wait3A_185 : memref<128x64xf32, #tpu.memory_space<hbm>>) dst(%arg11 : memref<128x64xf32, #tpu.memory_space<vmem>>)
    %dma_wait3A_186 = arith.constant 0 : i32
    %dma_wait3A_187 = arith.constant 0 : i32
    %dma_wait3A_188 = tpu.memref_slice %arg3[%dma_wait3A_186, %dma_wait3A_187] : memref<1000000x64xf32, #tpu.memory_space<hbm>> -> memref<128x64xf32, #tpu.memory_space<hbm>>
    %dma_wait3A_189 = arith.constant 0 : i32
    %dma_wait3A_190 = arith.constant 0 : i32
    %dma_wait3A_191 = tpu.memref_slice %arg3[%dma_wait3A_189, %dma_wait3A_190] : memref<1000000x64xf32, #tpu.memory_space<hbm>> -> memref<128x64xf32, #tpu.memory_space<hbm>>
    tpu.wait_dma2 semaphore(%arg21 : memref<!tpu.dma_semaphore, #tpu.memory_space<semaphore_mem>>) src(%dma_wait3A_191 : memref<128x64xf32, #tpu.memory_space<hbm>>) dst(%arg12 : memref<128x64xf32, #tpu.memory_space<vmem>>)
    %add3A_192 = arith.constant 9984 : i32
    %add3A_193 = arith.addi %mul3A_2, %add3A_192 : i32
    %dma_start3A_194 = arith.constant 0 : i32
    %dma_start3A_195 = tpu.memref_slice %arg4[%add3A_193, %dma_start3A_194] : memref<327680x64xf32, #tpu.memory_space<hbm>> -> memref<128x64xf32, #tpu.memory_space<hbm>>
    %dma_start3A_196 = arith.constant 0 : i32
    %dma_start3A_197 = tpu.memref_slice %arg4[%add3A_193, %dma_start3A_196] : memref<327680x64xf32, #tpu.memory_space<hbm>> -> memref<128x64xf32, #tpu.memory_space<hbm>>
    tpu.enqueue_dma source(%arg12 : memref<128x64xf32, #tpu.memory_space<vmem>>) target(%dma_start3A_197 : memref<128x64xf32, #tpu.memory_space<hbm>>) target_semaphore(%arg29 : memref<!tpu.dma_semaphore, #tpu.memory_space<semaphore_mem>>)
    %dma_wait3A_198 = arith.constant 0 : i32
    %dma_wait3A_199 = arith.constant 0 : i32
    %dma_wait3A_200 = tpu.memref_slice %arg3[%dma_wait3A_198, %dma_wait3A_199] : memref<1000000x64xf32, #tpu.memory_space<hbm>> -> memref<128x64xf32, #tpu.memory_space<hbm>>
    %dma_wait3A_201 = arith.constant 0 : i32
    %dma_wait3A_202 = arith.constant 0 : i32
    %dma_wait3A_203 = tpu.memref_slice %arg3[%dma_wait3A_201, %dma_wait3A_202] : memref<1000000x64xf32, #tpu.memory_space<hbm>> -> memref<128x64xf32, #tpu.memory_space<hbm>>
    tpu.wait_dma2 semaphore(%arg29 : memref<!tpu.dma_semaphore, #tpu.memory_space<semaphore_mem>>) src(%dma_wait3A_203 : memref<128x64xf32, #tpu.memory_space<hbm>>) dst(%arg12 : memref<128x64xf32, #tpu.memory_space<vmem>>)
    %dma_wait3A_204 = arith.constant 0 : i32
    %dma_wait3A_205 = arith.constant 0 : i32
    %dma_wait3A_206 = tpu.memref_slice %arg3[%dma_wait3A_204, %dma_wait3A_205] : memref<1000000x64xf32, #tpu.memory_space<hbm>> -> memref<128x64xf32, #tpu.memory_space<hbm>>
    %dma_wait3A_207 = arith.constant 0 : i32
    %dma_wait3A_208 = arith.constant 0 : i32
    %dma_wait3A_209 = tpu.memref_slice %arg3[%dma_wait3A_207, %dma_wait3A_208] : memref<1000000x64xf32, #tpu.memory_space<hbm>> -> memref<128x64xf32, #tpu.memory_space<hbm>>
    tpu.wait_dma2 semaphore(%arg22 : memref<!tpu.dma_semaphore, #tpu.memory_space<semaphore_mem>>) src(%dma_wait3A_209 : memref<128x64xf32, #tpu.memory_space<hbm>>) dst(%arg13 : memref<128x64xf32, #tpu.memory_space<vmem>>)
    %add3A_210 = arith.constant 10112 : i32
    %add3A_211 = arith.addi %mul3A_2, %add3A_210 : i32
    %dma_start3A_212 = arith.constant 0 : i32
    %dma_start3A_213 = tpu.memref_slice %arg4[%add3A_211, %dma_start3A_212] : memref<327680x64xf32, #tpu.memory_space<hbm>> -> memref<128x64xf32, #tpu.memory_space<hbm>>
    %dma_start3A_214 = arith.constant 0 : i32
    %dma_start3A_215 = tpu.memref_slice %arg4[%add3A_211, %dma_start3A_214] : memref<327680x64xf32, #tpu.memory_space<hbm>> -> memref<128x64xf32, #tpu.memory_space<hbm>>
    tpu.enqueue_dma source(%arg13 : memref<128x64xf32, #tpu.memory_space<vmem>>) target(%dma_start3A_215 : memref<128x64xf32, #tpu.memory_space<hbm>>) target_semaphore(%arg30 : memref<!tpu.dma_semaphore, #tpu.memory_space<semaphore_mem>>)
    %dma_wait3A_216 = arith.constant 0 : i32
    %dma_wait3A_217 = arith.constant 0 : i32
    %dma_wait3A_218 = tpu.memref_slice %arg3[%dma_wait3A_216, %dma_wait3A_217] : memref<1000000x64xf32, #tpu.memory_space<hbm>> -> memref<128x64xf32, #tpu.memory_space<hbm>>
    %dma_wait3A_219 = arith.constant 0 : i32
    %dma_wait3A_220 = arith.constant 0 : i32
    %dma_wait3A_221 = tpu.memref_slice %arg3[%dma_wait3A_219, %dma_wait3A_220] : memref<1000000x64xf32, #tpu.memory_space<hbm>> -> memref<128x64xf32, #tpu.memory_space<hbm>>
    tpu.wait_dma2 semaphore(%arg30 : memref<!tpu.dma_semaphore, #tpu.memory_space<semaphore_mem>>) src(%dma_wait3A_221 : memref<128x64xf32, #tpu.memory_space<hbm>>) dst(%arg13 : memref<128x64xf32, #tpu.memory_space<vmem>>)
    return
  }
}

</mosaic_0001>

<sc_bundles>
// kernel: kernel.3.cloned.1.call-start
scs
__scs_entry_jumppad:
0x0: {  	(pc) =	sbr.rel $0x88, $3  }
0x1: {  	(tag) =	ssettag $0x0;
	lr =	simm.s32 $0x1  }
0x2: {  	[smem:$0x3F9F] =	sst lr;
	_ =	strace $0xD0000000  }
0x3: {  	_ = 	snop  }
0x4: {  	_ = 	snop  }
0x5: {  	_ = 	snop  }
0x6: {  	_ = 	snop  }
0x7: {  	_ = 	snop  }
__scs_overlays_trampoline_lowered:
0x8: {  	[smem:$0x3FAE] =	sst s0  }
0x9: {  	[smem:$0x3FAF] =	sst s1  }
0xa: {  	[smem:$0x3FB0] =	sst s2  }
0xb: {  	[smem:$0x3FB1] =	sst s3  }
0xc: {  	[smem:$0x3FB2] =	sst s4  }
0xd: {  	[smem:$0x3FB3] =	sst s5  }
0xe: {  	[smem:$0x3FB4] =	sst s6  }
0xf: {  	[smem:$0x3FB5] =	sst s7  }
0x10: {  	[smem:$0x3FB6] =	sst s8  }
0x11: {  	[smem:$0x3FB7] =	sst s9;
	s0 =	simm.s32 @!p0 $0x0  }
0x12: {  	s1 =	sld [smem:$0x3F9D];
	s0 =	simm.s32 @p0 $0x1  }
0x13: {  	[smem:$0x3FB8] =	sst s0;
	s0 =	simm.s32 @!p1 $0x0  }
0x14: {  	s2 =	sld [smem:$0x3F9C];
	s0 =	simm.s32 @p1 $0x1  }
0x15: {  	[smem:$0x3FB9] =	sst s0;
	s0 =	simm.s32 @!p2 $0x0  }
0x16: {  	s3 =	sld [smem:$0x3FDB];
	s0 =	simm.s32 @p2 $0x1  }
0x17: {  	s4 =	simm.s32 $0x1BF5;
	[smem:$0x3FBB] =	sst s0  }
0x18: {  	s0 =	sld [smem:$0x3F9E];
	_ =	swait.ge [sflag:s4], $0x0  }
0x19: {  	s7 =	sld [smem:$0x3F9F]  }
0x1a: {  	s8 =	sadd.s32 $0xFFFFE003, lr  }
0x1b: {  	s9 =	sadd.s32 $0xFFFFFEF7, lr;
	s5 =	simm.s32 $0xFFFFFFFF;
	p2 =	slt.u32 s8, $0xFFFFF086  }
0x1c: {  	p1 =	slt.u32 s9, $0xF7A;
	s5 =	simm.s32 @!p2 $0x0  }
0x1d: {  	s5 =	simm.s32 @p1 $0x1;
	p0 =	seq.s32 s7, s2  }
0x1e: {  	s7 =	smul.u32 @!p0 $0xF7A, s2;
	p2 =	seq.s32 @!p0 s5, $0x0  }
0x1f: {  	s9 =	smul.u32 $0xF7A, s1;
	s8 =	simm.s32 @!p0 $0x1BF5;
	p2 =	por !p2, p0  }
0x20: {  	[sflag:s8] =	ssyncset.s32 @!p0 $0xFFFFF086;
	s6 =	sadd.s32 @!p0 s3, s7;
	s7 =	simm.s32 @!p0 $0x108  }
0x21: {  	s3 =	sadd.s32 s3, s9;
	s6 =	sadd.s32 @!p0 $0x88, s6;
	s7 =	simm.s32 @p2 $0x1082  }
0x22: {  	[simem:s7], [sflag:s8] =	dma.local @!p0 [hbm:s6], $0xF7A  }
0x23: {  	s9 =	sor.u32 $0xD0000000, s2;
	s6 =	simm.s32 $0x108;
	_ =	swait.ge @!p0 [sflag:s8], $0x0  }
0x24: {  	s3 =	sadd.s32 $0x88, s3;
	s6 =	simm.s32 @!p1 $0x1082;
	[sflag:s4] =	ssyncset.s32 $0xFFFFF086  }
0x25: {  	[simem:s6], [sflag:s4] =	dma.local [hbm:s3], $0xF7A  }
0x26: {  	[smem:$0x3F9F] =	sst s1;
	(tag) =	ssettag s2;
	_ =	strace s9  }
0x27: {  	s1 =	sld [smem:$0x3FAF]  }
0x28: {  	s2 =	sld [smem:$0x3FB0]  }
0x29: {  	s4 =	sld [smem:$0x3FB2]  }
0x2a: {  	p0 =	seq.s32 s5, $0x0;
	s5 =	sld [smem:$0x3FB3]  }
0x2b: {  	s6 =	sld [smem:$0x3FB4]  }
0x2c: {  	s7 =	sld [smem:$0x3FB5]  }
0x2d: {  	s3 =	simm.s32 $0x108;
	s8 =	sld [smem:$0x3FB6]  }
0x2e: {  	s3 =	simm.s32 @!p0 $0x1082;
	s9 =	sld [smem:$0x3FB7]  }
0x2f: {  	lr =	sadd.s32 s0, s3;
	s0 =	sld [smem:$0x3FAE]  }
0x30: {  	s3 =	sld [smem:$0x3FB1]  }
0x31: {  	[smem:$0x3FBA] =	sst s10  }
0x32: {  	s10 =	sld [smem:$0x3FB8];
	_ =	sdelay $0x3  }
0x33: {  	p0 =	seq.s32 s10, $0x1;
	s10 =	sld [smem:$0x3FBA];
	_ =	sdelay $0x3  }
0x34: {  	[smem:$0x3FBA] =	sst s10  }
0x35: {  	s10 =	sld [smem:$0x3FB9];
	_ =	sdelay $0x3  }
0x36: {  	p1 =	seq.s32 s10, $0x1;
	s10 =	sld [smem:$0x3FBA];
	_ =	sdelay $0x3  }
0x37: {  	[smem:$0x3FBA] =	sst s10  }
0x38: {  	s10 =	sld [smem:$0x3FBB]  }
0x39: {  	_ = 	snop;
	(pc) =	sbr.ind lr, $3  }
0x3a: {  	_ = 	snop  }
0x3b: {  	_ = 	snop  }
0x3c: {  	p2 =	seq.s32 s10, $0x1;
	s10 =	sld [smem:$0x3FBA]  }
0x3d: {  	_ =	shalt  }
0x3e: {  	_ =	shalt  }
0x3f: {  	_ =	shalt  }
0x40: {  	_ =	shalt  }
0x41: {  	_ =	shalt  }
0x42: {  	_ =	shalt  }
0x43: {  	_ =	shalt  }
0x44: {  	_ =	shalt  }
0x45: {  	_ =	shalt  }
0x46: {  	_ =	shalt  }
0x47: {  	_ =	shalt  }
0x48: {  	_ =	shalt  }
0x49: {  	_ =	shalt  }
0x4a: {  	_ =	shalt  }
0x4b: {  	_ =	shalt  }
0x4c: {  	_ =	shalt  }
0x4d: {  	_ =	shalt  }
0x4e: {  	_ =	shalt  }
0x4f: {  	_ =	shalt  }
0x50: {  	_ =	shalt  }
0x51: {  	_ =	shalt  }
0x52: {  	_ =	shalt  }
0x53: {  	_ =	shalt  }
0x54: {  	_ =	shalt  }
0x55: {  	_ =	shalt  }
0x56: {  	_ =	shalt  }
0x57: {  	_ =	shalt  }
0x58: {  	_ =	shalt  }
0x59: {  	_ =	shalt  }
0x5a: {  	_ =	shalt  }
0x5b: {  	_ =	shalt  }
0x5c: {  	_ =	shalt  }
0x5d: {  	_ =	shalt  }
0x5e: {  	_ =	shalt  }
0x5f: {  	_ =	shalt  }
0x60: {  	_ =	shalt  }
0x61: {  	_ =	shalt  }
0x62: {  	_ =	shalt  }
0x63: {  	_ =	shalt  }
0x64: {  	_ =	shalt  }
0x65: {  	_ =	shalt  }
0x66: {  	_ =	shalt  }
0x67: {  	_ =	shalt  }
0x68: {  	_ =	shalt  }
0x69: {  	_ =	shalt  }
0x6a: {  	_ =	shalt  }
0x6b: {  	_ =	shalt  }
0x6c: {  	_ =	shalt  }
0x6d: {  	_ =	shalt  }
0x6e: {  	_ =	shalt  }
0x6f: {  	_ =	shalt  }
0x70: {  	_ =	shalt  }
0x71: {  	_ =	shalt  }
0x72: {  	_ =	shalt  }
0x73: {  	_ =	shalt  }
0x74: {  	_ =	shalt  }
0x75: {  	_ =	shalt  }
0x76: {  	_ =	shalt  }
0x77: {  	_ =	shalt  }
0x78: {  	_ =	shalt  }
0x79: {  	_ =	shalt  }
0x7a: {  	_ =	shalt  }
0x7b: {  	_ =	shalt  }
0x7c: {  	_ =	shalt  }
0x7d: {  	_ =	shalt  }
0x7e: {  	_ =	shalt  }
0x7f: {  	_ =	shalt  }
0x80: {  	_ =	shalt  }
0x81: {  	_ =	shalt  }
0x82: {  	_ =	shalt  }
0x83: {  	_ =	shalt  }
0x84: {  	_ =	shalt  }
0x85: {  	_ =	shalt  }
0x86: {  	_ =	shalt  }
0x87: {  	_ =	shalt  }
.Lfunc_end0:
.L_simem_size_0:
called_computation.2_lowered:
.L_overlay_start_0:
0x88: {  	s2 =	sld [smem:$0x3FD9]  }
0x89: {  	s3 =	sld [smem:$0x3FFE];
	_ =	sdelay $0x1  }
0x8a: {  	s1 =	srdreg.scid  }
0x8b: {  	s0 =	sand.u32 $0x1, s1  }
0x8c: {  	s17 =	sshll.u32 s0, $0xA;
	s2 =	sadd.s32 s3, s2  }
0x8d: {  	s2 =	sadd.s32 s2, s17  }
0x8e: {  	[smem:$0x3FC6] =	sst s2  }
0x8f: {  	_ = 	snop  }
0x90: {  	s2 =	sld [smem:$0x3FD0];
	(tm) =	ssettm $0x1  }
0x91: {  	s18 =	sld [smem:$0x3FFB];
	_ =	sdelay $0x3  }
0x92: {  	_ =	strace s18  }
0x93: {  	s3 =	sld [smem:$0x3FFC];
	_ =	sdelay $0x3  }
0x94: {  	_ =	strace s3  }
0x95: {  	s3 =	sld [smem:$0x3FFD];
	_ =	sdelay $0x3  }
0x96: {  	_ =	strace s3  }
0x97: {  	_ =	strace $0x8FFFFFFF  }
0x98: {  	s19 =	sld [smem:$0x3FDB];
	_ =	sdelay $0x1  }
0x99: {  	s4 =	simm.s32 $_scs_section_size  }
0x9a: {  	s5 =	simm.s32 $_size__tile_overlayer_lowered;
	s6 =	simm.s32 $_tile_overlayer_lowered  }
0x9b: {  	s22 =	simm.s32 $0x1BFF;
	s21 =	sshll.u32 s6, $0x1;
	s3 =	sadd.s32 s4, s19  }
0x9c: {  	s7 =	simm.s32 $0x0;
	s20 =	sshll.u32 s5, $0x1;
	s5 =	sadd.s32 s21, s3  }
0x9d: {  	[timem:s7], [sflag:s22] =	dma.local [hbm:s5], s20  }
0x9e: {  	_ =	swait.ge [sflag:s22], s20  }
0x9f: {  	s4 =	ssub.s32 $0x0, s20;
	[sflag:s22] =	ssyncset.done $0x0  }
0xa0: {  	[sflag:s22] =	ssyncadd.s32 s4;
	_ =	sdelay $0x1  }
0xa1: {  	s23 =	simm.s32 $0x1B8B  }
0xa2: {  	_ =	swait.ge [sflag:s23], $0x1  }
0xa3: {  	[sflag:s23] =	ssyncset.done $0x0  }
0xa4: {  	s25 =	simm.s32 $0x1B8E;
	s24 =	sld [smem:$0x3FFE];
	[sflag:s23] =	ssyncadd.s32 $0xFFFFFFFF  }
0xa5: {  	s26 =	simm.s32 $execute0_lowered;
	[smem:$0x3FD2] =	sst s25  }
0xa6: {  	s5 =	sshll.u32 s26, $0x1;
	_ =	strace $0x80000049;
	[dreg:$0x1] =	wrdreg $0xFFFFFFFF  }
0xa7: {  	s28 =	simm.s32 $_size_execute0_lowered;
	s3 =	sadd.s32 s3, s5;
	[dreg:$0x0] =	wrdreg $0x0  }
0xa8: {  	s5 =	sshll.u32 s28, $0x1;
	[dreg:$0x2] =	wrdreg s3  }
0xa9: {  	[dreg:$0x3] =	wrdreg s5  }
0xaa: {  	[dreg:$0x4] =	wrdreg $0xC0  }
0xab: {  	_ =	task [dreg:s7], $0x5FFFF  }
0xac: {  	[dreg:$0x1] =	wrdreg $0xFFFFFFFF  }
0xad: {  	[dreg:$0x0] =	wrdreg $0x60  }
0xae: {  	[dreg:$0x2] =	wrdreg s24  }
0xaf: {  	[dreg:$0x3] =	wrdreg s2  }
0xb0: {  	[dreg:$0x4] =	wrdreg $0x9  }
0xb1: {  	_ =	task.clear_ibuf [dreg:s7], $0x5FFFF;
	_ =	strace $0x90000049  }
0xb2: {  	s29 =	simm.s32 $0x9;
	_ =	strace $0x8000004B  }
0xb3: {  	_ =	swait.ge [sflag:s29], $0x1  }
0xb4: {  	[sflag:s29] =	ssyncadd.s32 $0xFFFFFFFF  }
0xb5: {  	_ =	strace $0x9000004B  }
0xb6: {  	_ =	sfence  }
0xb7: {  	s30 =	sld [smem:$0x0];
	_ =	sdelay $0x2  }
0xb8: {  	s31 =	sshll.u32 s1, $0xD;
	s1 =	sshrl.u32 s1, $0x2  }
0xb9: {  	s3 =	sand.u32 $0x4000, s31;
	s1 =	sadd.s32 s1, s30  }
0xba: {  	s0 =	sor.u32 s3, s0;
	s1 =	sshll.u32 s1, $0x11  }
0xbb: {  	s0 =	sor.u32 s1, s0  }
0xbc: {  	s0 =	sadd.s32 $0x8F2B, s0  }
0xbd: {  	[sflag:s0] =	ssyncadd.remote.s32 $0x1  }
0xbe: {  	_ =	sfence.sel $0xFFFF  }
0xbf: {  	[dreg:$0x0] =	wrdreg $0xFFFFFFFF;
	(pc) =	sbr.abs _section_cstart, $3  }
0xc0: {  	[dreg:$0x1] =	wrdreg $0xFFFFFFFF  }
0xc1: {  	_ =	task.clear_ibuf [dreg:s7], $0x2FFFF;
	_ =	strace $0x9FFFFFFF  }
0xc2: {  	(tm) =	ssettm $0x7FFFFFFF  }
0xc3: {  	_ =	shalt  }
tec
execute0_lowered:
.L_overlay_start_1:
0x0: {  	(tag) =	ssettag $0x1  }
0x1: {  	s9 =	stileid.u32  }
0x2: {  	s0 =	srdreg.scid;
	s6 =	smul.u32 $0x140000, s9  }
0x3: {  	s0 =	sand.u32 $0x1, s0;
	s2 =	sshll.u32 s9, $0x1;
	s9 =	smul.u32 $0x5000, s9  }
0x4: {  	s1 =	rddreg [dreg:$0x0];
	s7 =	smul.u32 $0xA0000, s0  }
0x5: {  	s5 =	sor.u32 s0, s2;
	s8 =	ssub.s32 $0x2, s0;
	s0 =	smul.u32 $0x2800, s0  }
0x6: {  	s4 =	rddreg [dreg:$0x1];
	s2 =	simm.s32 $0x0;
	s3 =	smul.u32 $0x2800, s5  }
0x7: {  	[smem:$0x7FF] =	sst s2;
	s11 =	sshrl.u32 s8, $0x1;
	s5 =	smul.u32 $0xA0000, s5  }
0x8: {  	_ =	strace $0x8000004A;
	s13 =	ssub.s32 s8, s11;
	s6 =	sadd.s32 s7, s6  }
0x9: {  	s0 =	sadd.s32 s0, s9;
	s3 =	sshrl.u32 s3, $0x3;
	s6 =	sshrl.u32 s6, $0x3  }
0xa: {  	s5 =	sshrl.u32 s5, $0x3;
	s10 =	sadd.s32 s3, s1;
	s6 =	sadd.s32 s6, s4  }
0xb: {  	s3 =	sadd.s32 $0x1000, s1;
	s1 =	smax.u32 s13, $0x1;
	[dreg:$0x3] =	wrdreg s6  }
0xc: {  	s5 =	sadd.s32 s4, s5;
	s14 =	sadd.s32 $0xF44000, s10;
	[dreg:$0x14] =	wrdreg s1  }
0xd: {  	s0 =	sshll.u32 s0, $0x3;
	s15 =	sadd.s32 $0x12000, s5;
	[dreg:$0xb] =	wrdreg s14  }
0xe: {  	s0 =	sadd.s32 s0, s4;
	s17 =	sadd.s32 $0x12400, s5;
	[dreg:$0xc] =	wrdreg s15  }
0xf: {  	s16 =	sadd.s32 $0x1C00, s0;
	[dreg:$0xd] =	wrdreg s17  }
0x10: {  	s19 =	sadd.s32 $0x12800, s5;
	[dreg:$0x4] =	wrdreg s16  }
0x11: {  	s18 =	sadd.s32 $0x1800, s0;
	[dreg:$0xe] =	wrdreg s19  }
0x12: {  	s21 =	sadd.s32 $0x12C00, s5;
	[dreg:$0x5] =	wrdreg s18  }
0x13: {  	s29 =	simm.s32 $0x6;
	s20 =	sadd.s32 $0x1400, s0;
	[dreg:$0xf] =	wrdreg s21  }
0x14: {  	s31 =	simm.s32 $0xE800;
	s23 =	sadd.s32 $0x13000, s5;
	[dreg:$0x6] =	wrdreg s20  }
0x15: {  	s7 =	simm.s32 $0x8;
	s22 =	sadd.s32 $0x1000, s0;
	[dreg:$0x10] =	wrdreg s23  }
0x16: {  	s8 =	simm.s32 $0x10;
	s25 =	sadd.s32 $0x13400, s5;
	[dreg:$0x7] =	wrdreg s22  }
0x17: {  	s9 =	simm.s32 $0x9;
	s24 =	sadd.s32 $0xC00, s0;
	[dreg:$0x11] =	wrdreg s25  }
0x18: {  	s4 =	simm.s32 $0xE;
	s28 =	sadd.s32 $0x13800, s5;
	[dreg:$0x8] =	wrdreg s24  }
0x19: {  	s26 =	sadd.s32 $0x800, s0;
	s0 =	sadd.s32 $0x400, s0;
	[dreg:$0x12] =	wrdreg s28  }
0x1a: {  	s30 =	sadd.s32 $0x13C00, s5;
	s5 =	simm.s32 $0x7;
	[dreg:$0x9] =	wrdreg s26  }
0x1b: {  	s6 =	simm.s32 $0xF;
	s10 =	simm.s32 $0x11;
	[dreg:$0x13] =	wrdreg s30  }
0x1c: {  	s1 =	simm.s32 $0x0;
	[dreg:$0xa] =	wrdreg s0;
	s15 =	simm.s32 $0x80  }
0x1d: {  	s0 =	simm.s32 $0x3;
	s18 =	simm.s32 $0xB;
	s20 =	simm.s32 $0x4  }
0x1e: {  	s22 =	simm.s32 $0xC;
	s24 =	simm.s32 $0x5;
	s26 =	simm.s32 $0xD  }
.LBB2_1:
0x1f: {  	[dreg:$0x15] =	wrdreg s1  }
0x20: {  	s11 =	rddreg [dreg:$0xb];
	s21 =	simm.s32 $0x1  }
0x21: {  	[tilespmem:s2], [sflag:$0x1] =	stream.linear.gather [hbm4b:s11+s2], $0x2800, $0x38;
	[tilespmem:$0x12800] =	vst v63  }
0x22: {  	_ =	swait.ge [sflag:s21], $0x2800  }
0x23: {  	[sflag:s21] =	ssyncset.done $0x0  }
0x24: {  	s12 =	simm.s32 $0x2800;
	[sflag:s21] =	ssyncadd.s32 $0xFFFFD800  }
0x25: {  	[tilespmem:s12], [sflag:$0x2] =	stream.indirect.gather [hbm4b:s3+s15], $0x40, s2, s15, $0xb8;
	[tilespmem:$0x12800] =	vst v63  }
0x26: {  	s13 =	simm.s32 $0x4800  }
0x27: {  	[tilespmem:s13], [sflag:$0x3] =	stream.indirect.gather [hbm4b:s3+s15], $0x40, s15, s15, $0xb8;
	[tilespmem:$0x12800] =	vst v63  }
0x28: {  	s23 =	simm.s32 $0x100;
	s14 =	simm.s32 $0x6800  }
0x29: {  	[tilespmem:s14], [sflag:$0x4] =	stream.indirect.gather [hbm4b:s3+s15], $0x40, s23, s15, $0xb8;
	[tilespmem:$0x12800] =	vst v63  }
0x2a: {  	s25 =	simm.s32 $0x180;
	s16 =	simm.s32 $0x8800  }
0x2b: {  	[tilespmem:s16], [sflag:$0x5] =	stream.indirect.gather [hbm4b:s3+s15], $0x40, s25, s15, $0xb8;
	[tilespmem:$0x12800] =	vst v63  }
0x2c: {  	s28 =	simm.s32 $0x200;
	s17 =	simm.s32 $0xA800  }
0x2d: {  	[tilespmem:s17], [sflag:$0x6] =	stream.indirect.gather [hbm4b:s3+s15], $0x40, s28, s15, $0xb8;
	[tilespmem:$0x12800] =	vst v63  }
0x2e: {  	s30 =	simm.s32 $0x280;
	s19 =	simm.s32 $0xC800  }
0x2f: {  	[tilespmem:s19], [sflag:$0x7] =	stream.indirect.gather [hbm4b:s3+s15], $0x40, s30, s15, $0xb8;
	[tilespmem:$0x12800] =	vst v63  }
0x30: {  	s1 =	simm.s32 $0x300;
	s21 =	simm.s32 $0xE800  }
0x31: {  	[tilespmem:s21], [sflag:$0x8] =	stream.indirect.gather [hbm4b:s3+s15], $0x40, s1, s15, $0xb8;
	[tilespmem:$0x12800] =	vst v63  }
0x32: {  	s23 =	simm.s32 $0x380;
	s1 =	simm.s32 $0x10800  }
0x33: {  	[tilespmem:s1], [sflag:$0x9] =	stream.indirect.gather [hbm4b:s3+s15], $0x40, s23, s15, $0xb8;
	[tilespmem:$0x12800] =	vst v63  }
0x34: {  	s23 =	simm.s32 $0x2  }
0x35: {  	_ =	swait.ge [sflag:s23], $0x2000  }
0x36: {  	s25 =	rddreg [dreg:$0x3];
	[sflag:s23] =	ssyncset.done $0x0  }
0x37: {  	s28 =	simm.s32 $0xA;
	[sflag:s23] =	ssyncadd.s32 $0xFFFFE000;
	s11 =	sadd.s32 $0x0, s25  }
0x38: {  	[hbm4b:s11+s2] =	stream.linear.scatter [tilespmem:s12], [sflag:$0xA], $0x2000, $0x38;
	[tilespmem:$0x12800] =	vst v63  }
0x39: {  	_ =	swait.ge [sflag:s28], $0x2000  }
0x3a: {  	[sflag:s28] =	ssyncset.done $0x0  }
0x3b: {  	s30 =	simm.s32 $0x400;
	[sflag:s28] =	ssyncadd.s32 $0xFFFFE000  }
0x3c: {  	[tilespmem:s12], [sflag:$0x2] =	stream.indirect.gather [hbm4b:s3+s15], $0x40, s30, s15, $0xb8;
	[tilespmem:$0x12800] =	vst v63  }
0x3d: {  	_ =	swait.ge [sflag:s0], $0x2000  }
0x3e: {  	s23 =	rddreg [dreg:$0xa];
	[sflag:s0] =	ssyncset.done $0x0  }
0x3f: {  	[sflag:s0] =	ssyncadd.s32 $0xFFFFE000;
	s11 =	sadd.s32 $0x0, s23  }
0x40: {  	[hbm4b:s11+s2] =	stream.linear.scatter [tilespmem:s13], [sflag:$0xB], $0x2000, $0x38;
	[tilespmem:$0x12800] =	vst v63  }
0x41: {  	_ =	swait.ge [sflag:s18], $0x2000  }
0x42: {  	[sflag:s18] =	ssyncset.done $0x0  }
0x43: {  	s25 =	simm.s32 $0x480;
	[sflag:s18] =	ssyncadd.s32 $0xFFFFE000  }
0x44: {  	[tilespmem:s13], [sflag:$0x3] =	stream.indirect.gather [hbm4b:s3+s15], $0x40, s25, s15, $0xb8;
	[tilespmem:$0x12800] =	vst v63  }
0x45: {  	_ =	swait.ge [sflag:s20], $0x2000  }
0x46: {  	s28 =	rddreg [dreg:$0x9];
	[sflag:s20] =	ssyncset.done $0x0  }
0x47: {  	[sflag:s20] =	ssyncadd.s32 $0xFFFFE000;
	s11 =	sadd.s32 $0x0, s28  }
0x48: {  	[hbm4b:s11+s2] =	stream.linear.scatter [tilespmem:s14], [sflag:$0xC], $0x2000, $0x38;
	[tilespmem:$0x12800] =	vst v63  }
0x49: {  	_ =	swait.ge [sflag:s22], $0x2000  }
0x4a: {  	[sflag:s22] =	ssyncset.done $0x0  }
0x4b: {  	s30 =	simm.s32 $0x500;
	[sflag:s22] =	ssyncadd.s32 $0xFFFFE000  }
0x4c: {  	[tilespmem:s14], [sflag:$0x4] =	stream.indirect.gather [hbm4b:s3+s15], $0x40, s30, s15, $0xb8;
	[tilespmem:$0x12800] =	vst v63  }
0x4d: {  	_ =	swait.ge [sflag:s24], $0x2000  }
0x4e: {  	s12 =	rddreg [dreg:$0x8];
	[sflag:s24] =	ssyncset.done $0x0  }
0x4f: {  	[sflag:s24] =	ssyncadd.s32 $0xFFFFE000;
	s11 =	sadd.s32 $0x0, s12  }
0x50: {  	[hbm4b:s11+s2] =	stream.linear.scatter [tilespmem:s16], [sflag:$0xD], $0x2000, $0x38;
	[tilespmem:$0x12800] =	vst v63  }
0x51: {  	_ =	swait.ge [sflag:s26], $0x2000  }
0x52: {  	[sflag:s26] =	ssyncset.done $0x0  }
0x53: {  	s13 =	simm.s32 $0x580;
	[sflag:s26] =	ssyncadd.s32 $0xFFFFE000  }
0x54: {  	[tilespmem:s16], [sflag:$0x5] =	stream.indirect.gather [hbm4b:s3+s15], $0x40, s13, s15, $0xb8;
	[tilespmem:$0x12800] =	vst v63  }
0x55: {  	_ =	swait.ge [sflag:s29], $0x2000  }
0x56: {  	s14 =	rddreg [dreg:$0x7];
	[sflag:s29] =	ssyncset.done $0x0  }
0x57: {  	[sflag:s29] =	ssyncadd.s32 $0xFFFFE000;
	s11 =	sadd.s32 $0x0, s14  }
0x58: {  	[hbm4b:s11+s2] =	stream.linear.scatter [tilespmem:s17], [sflag:$0xE], $0x2000, $0x38;
	[tilespmem:$0x12800] =	vst v63  }
0x59: {  	_ =	swait.ge [sflag:s4], $0x2000  }
0x5a: {  	[sflag:s4] =	ssyncset.done $0x0  }
0x5b: {  	s16 =	simm.s32 $0x600;
	[sflag:s4] =	ssyncadd.s32 $0xFFFFE000  }
0x5c: {  	[tilespmem:s17], [sflag:$0x6] =	stream.indirect.gather [hbm4b:s3+s15], $0x40, s16, s15, $0xb8;
	[tilespmem:$0x12800] =	vst v63  }
0x5d: {  	_ =	swait.ge [sflag:s5], $0x2000  }
0x5e: {  	s17 =	rddreg [dreg:$0x6];
	[sflag:s5] =	ssyncset.done $0x0  }
0x5f: {  	[sflag:s5] =	ssyncadd.s32 $0xFFFFE000;
	s11 =	sadd.s32 $0x0, s17  }
0x60: {  	[hbm4b:s11+s2] =	stream.linear.scatter [tilespmem:s19], [sflag:$0xF], $0x2000, $0x38;
	[tilespmem:$0x12800] =	vst v63  }
0x61: {  	_ =	swait.ge [sflag:s6], $0x2000  }
0x62: {  	[sflag:s6] =	ssyncset.done $0x0  }
0x63: {  	s23 =	simm.s32 $0x680;
	[sflag:s6] =	ssyncadd.s32 $0xFFFFE000  }
0x64: {  	[tilespmem:s19], [sflag:$0x7] =	stream.indirect.gather [hbm4b:s3+s15], $0x40, s23, s15, $0xb8;
	[tilespmem:$0x12800] =	vst v63  }
0x65: {  	_ =	swait.ge [sflag:s7], $0x2000  }
0x66: {  	s25 =	rddreg [dreg:$0x5];
	[sflag:s7] =	ssyncset.done $0x0  }
0x67: {  	[sflag:s7] =	ssyncadd.s32 $0xFFFFE000;
	s11 =	sadd.s32 $0x0, s25  }
0x68: {  	[hbm4b:s11+s2] =	stream.linear.scatter [tilespmem:s21], [sflag:$0x10], $0x2000, $0x38;
	[tilespmem:$0x12800] =	vst v63  }
0x69: {  	_ =	swait.ge [sflag:s8], $0x2000  }
0x6a: {  	[sflag:s8] =	ssyncset.done $0x0  }
0x6b: {  	s28 =	simm.s32 $0x700;
	[sflag:s8] =	ssyncadd.s32 $0xFFFFE000  }
0x6c: {  	[tilespmem:s21], [sflag:$0x8] =	stream.indirect.gather [hbm4b:s3+s15], $0x40, s28, s15, $0xb8;
	[tilespmem:$0x12800] =	vst v63  }
0x6d: {  	_ =	swait.ge [sflag:s9], $0x2000  }
0x6e: {  	s30 =	rddreg [dreg:$0x4];
	[sflag:s9] =	ssyncset.done $0x0  }
0x6f: {  	[sflag:s9] =	ssyncadd.s32 $0xFFFFE000;
	s11 =	sadd.s32 $0x0, s30  }
0x70: {  	[hbm4b:s11+s2] =	stream.linear.scatter [tilespmem:s1], [sflag:$0x11], $0x2000, $0x38;
	[tilespmem:$0x12800] =	vst v63  }
0x71: {  	_ =	swait.ge [sflag:s10], $0x2000  }
0x72: {  	s12 =	simm.s32 $0x780;
	[sflag:s10] =	ssyncset.done $0x0  }
0x73: {  	s13 =	simm.s32 $0x2000;
	s14 =	simm.s32 $0xB80;
	[sflag:s10] =	ssyncadd.s32 $0xFFFFE000  }
.LBB2_2:
0x74: {  	s1 =	simm.s32 $0x10800;
	s17 =	simm.s32 $0x2  }
0x75: {  	[tilespmem:s1], [sflag:$0x9] =	stream.indirect.gather [hbm4b:s3+s15], $0x40, s12, s15, $0xb8;
	[tilespmem:$0x12800] =	vst v63  }
0x76: {  	s11 =	smov.u32 s13;
	_ =	swait.ge [sflag:s17], $0x2000  }
0x77: {  	s19 =	simm.s32 $0x2800;
	s16 =	rddreg [dreg:$0x3];
	[sflag:s17] =	ssyncset.done $0x0  }
0x78: {  	[sflag:s17] =	ssyncadd.s32 $0xFFFFE000;
	s16 =	sadd.s32 s11, s16;
	s17 =	simm.s32 $0xA  }
0x79: {  	[hbm4b:s16+s2] =	stream.linear.scatter [tilespmem:s19], [sflag:$0xA], $0x2000, $0x38;
	[tilespmem:$0x12800] =	vst v63  }
0x7a: {  	_ =	swait.ge [sflag:s17], $0x2000  }
0x7b: {  	[sflag:s17] =	ssyncset.done $0x0  }
0x7c: {  	s21 =	sadd.s32 $0xFFFFFC80, s14;
	[sflag:s17] =	ssyncadd.s32 $0xFFFFE000  }
0x7d: {  	[tilespmem:s19], [sflag:$0x2] =	stream.indirect.gather [hbm4b:s3+s15], $0x40, s21, s15, $0xb8;
	[tilespmem:$0x12800] =	vst v63  }
0x7e: {  	_ =	swait.ge [sflag:s0], $0x2000  }
0x7f: {  	s23 =	rddreg [dreg:$0xa];
	[sflag:s0] =	ssyncset.done $0x0  }
0x80: {  	s21 =	simm.s32 $0x4800;
	[sflag:s0] =	ssyncadd.s32 $0xFFFFE000;
	s16 =	sadd.s32 s11, s23  }
0x81: {  	[hbm4b:s16+s2] =	stream.linear.scatter [tilespmem:s21], [sflag:$0xB], $0x2000, $0x38;
	[tilespmem:$0x12800] =	vst v63  }
0x82: {  	_ =	swait.ge [sflag:s18], $0x2000  }
0x83: {  	[sflag:s18] =	ssyncset.done $0x0  }
0x84: {  	s25 =	sadd.s32 $0xFFFFFD00, s14;
	[sflag:s18] =	ssyncadd.s32 $0xFFFFE000  }
0x85: {  	[tilespmem:s21], [sflag:$0x3] =	stream.indirect.gather [hbm4b:s3+s15], $0x40, s25, s15, $0xb8;
	[tilespmem:$0x12800] =	vst v63  }
0x86: {  	_ =	swait.ge [sflag:s20], $0x2000  }
0x87: {  	s23 =	rddreg [dreg:$0x9];
	[sflag:s20] =	ssyncset.done $0x0  }
0x88: {  	[sflag:s20] =	ssyncadd.s32 $0xFFFFE000;
	s16 =	sadd.s32 s11, s23;
	s23 =	simm.s32 $0x6800  }
0x89: {  	[hbm4b:s16+s2] =	stream.linear.scatter [tilespmem:s23], [sflag:$0xC], $0x2000, $0x38;
	[tilespmem:$0x12800] =	vst v63  }
0x8a: {  	_ =	swait.ge [sflag:s22], $0x2000  }
0x8b: {  	[sflag:s22] =	ssyncset.done $0x0  }
0x8c: {  	s25 =	sadd.s32 $0xFFFFFD80, s14;
	[sflag:s22] =	ssyncadd.s32 $0xFFFFE000  }
0x8d: {  	[tilespmem:s23], [sflag:$0x4] =	stream.indirect.gather [hbm4b:s3+s15], $0x40, s25, s15, $0xb8;
	[tilespmem:$0x12800] =	vst v63  }
0x8e: {  	_ =	swait.ge [sflag:s24], $0x2000  }
0x8f: {  	s23 =	rddreg [dreg:$0x8];
	[sflag:s24] =	ssyncset.done $0x0  }
0x90: {  	s25 =	simm.s32 $0x8800;
	[sflag:s24] =	ssyncadd.s32 $0xFFFFE000;
	s16 =	sadd.s32 s11, s23  }
0x91: {  	[hbm4b:s16+s2] =	stream.linear.scatter [tilespmem:s25], [sflag:$0xD], $0x2000, $0x38;
	[tilespmem:$0x12800] =	vst v63  }
0x92: {  	_ =	swait.ge [sflag:s26], $0x2000  }
0x93: {  	[sflag:s26] =	ssyncset.done $0x0  }
0x94: {  	s16 =	sadd.s32 $0xFFFFFE00, s14;
	[sflag:s26] =	ssyncadd.s32 $0xFFFFE000  }
0x95: {  	[tilespmem:s25], [sflag:$0x5] =	stream.indirect.gather [hbm4b:s3+s15], $0x40, s16, s15, $0xb8;
	[tilespmem:$0x12800] =	vst v63  }
0x96: {  	_ =	swait.ge [sflag:s29], $0x2000  }
0x97: {  	s25 =	rddreg [dreg:$0x7];
	[sflag:s29] =	ssyncset.done $0x0  }
0x98: {  	s28 =	simm.s32 $0xA800;
	[sflag:s29] =	ssyncadd.s32 $0xFFFFE000;
	s16 =	sadd.s32 s11, s25  }
0x99: {  	[hbm4b:s16+s2] =	stream.linear.scatter [tilespmem:s28], [sflag:$0xE], $0x2000, $0x38;
	[tilespmem:$0x12800] =	vst v63  }
0x9a: {  	_ =	swait.ge [sflag:s4], $0x2000  }
0x9b: {  	[sflag:s4] =	ssyncset.done $0x0  }
0x9c: {  	s16 =	sadd.s32 $0xFFFFFE80, s14;
	[sflag:s4] =	ssyncadd.s32 $0xFFFFE000  }
0x9d: {  	[tilespmem:s28], [sflag:$0x6] =	stream.indirect.gather [hbm4b:s3+s15], $0x40, s16, s15, $0xb8;
	[tilespmem:$0x12800] =	vst v63  }
0x9e: {  	_ =	swait.ge [sflag:s5], $0x2000  }
0x9f: {  	s16 =	rddreg [dreg:$0x6];
	[sflag:s5] =	ssyncset.done $0x0  }
0xa0: {  	s30 =	simm.s32 $0xC800;
	[sflag:s5] =	ssyncadd.s32 $0xFFFFE000;
	s16 =	sadd.s32 s11, s16  }
0xa1: {  	[hbm4b:s16+s2] =	stream.linear.scatter [tilespmem:s30], [sflag:$0xF], $0x2000, $0x38;
	[tilespmem:$0x12800] =	vst v63  }
0xa2: {  	_ =	swait.ge [sflag:s6], $0x2000  }
0xa3: {  	[sflag:s6] =	ssyncset.done $0x0  }
0xa4: {  	s16 =	sadd.s32 $0xFFFFFF00, s14;
	[sflag:s6] =	ssyncadd.s32 $0xFFFFE000  }
0xa5: {  	[tilespmem:s30], [sflag:$0x7] =	stream.indirect.gather [hbm4b:s3+s15], $0x40, s16, s15, $0xb8;
	[tilespmem:$0x12800] =	vst v63  }
0xa6: {  	_ =	swait.ge [sflag:s7], $0x2000  }
0xa7: {  	s16 =	rddreg [dreg:$0x5];
	[sflag:s7] =	ssyncset.done $0x0  }
0xa8: {  	[sflag:s7] =	ssyncadd.s32 $0xFFFFE000;
	s16 =	sadd.s32 s11, s16  }
0xa9: {  	[hbm4b:s16+s2] =	stream.linear.scatter [tilespmem:s31], [sflag:$0x10], $0x2000, $0x38;
	[tilespmem:$0x12800] =	vst v63  }
0xaa: {  	_ =	swait.ge [sflag:s8], $0x2000  }
0xab: {  	p0 =	sne.s32 s13, $0x10000;
	[sflag:s8] =	ssyncset.done $0x0  }
0xac: {  	s13 =	sadd.s32 $0x2000, s13;
	s16 =	sadd.s32 $0xFFFFFF80, s14;
	[sflag:s8] =	ssyncadd.s32 $0xFFFFE000  }
0xad: {  	[tilespmem:s31], [sflag:$0x8] =	stream.indirect.gather [hbm4b:s3+s15], $0x40, s16, s15, $0xb8;
	[tilespmem:$0x12800] =	vst v63  }
0xae: {  	s12 =	smov.u32 s14;
	s17 =	simm.s32 $0x2800;
	_ =	swait.ge [sflag:s9], $0x2000  }
0xaf: {  	s19 =	simm.s32 $0x4800;
	s16 =	rddreg [dreg:$0x4];
	[sflag:s9] =	ssyncset.done $0x0  }
.Ltmp0:
0xb0: {  	[sflag:s9] =	ssyncadd.s32 $0xFFFFE000;
	s11 =	sadd.s32 s11, s16;
	(pc) =	sbr.rel @p0 .LBB2_2-.Ltmp0, $4  }
0xb1: {  	[hbm4b:s11+s2] =	stream.linear.scatter [tilespmem:s1], [sflag:$0x11], $0x2000, $0x38;
	[tilespmem:$0x12800] =	vst v63  }
0xb2: {  	s21 =	simm.s32 $0x6800;
	s23 =	simm.s32 $0x8800;
	_ =	swait.ge [sflag:s10], $0x2000  }
0xb3: {  	s25 =	simm.s32 $0xA800;
	s28 =	simm.s32 $0xC800;
	[sflag:s10] =	ssyncset.done $0x0  }
0xb4: {  	s30 =	simm.s32 $0xE800;
	s14 =	sadd.s32 $0x400, s14;
	[sflag:s10] =	ssyncadd.s32 $0xFFFFE000  }
0xb5: {  	s1 =	simm.s32 $0x10800;
	s11 =	simm.s32 $0x2  }
0xb6: {  	[tilespmem:s1], [sflag:$0x9] =	stream.indirect.gather [hbm4b:s3+s15], $0x40, s12, s15, $0xb8;
	[tilespmem:$0x12800] =	vst v63  }
0xb7: {  	_ =	swait.ge [sflag:s11], $0x2000  }
0xb8: {  	[sflag:s11] =	ssyncset.done $0x0  }
0xb9: {  	s13 =	simm.s32 $0xA;
	s12 =	rddreg [dreg:$0xc];
	[sflag:s11] =	ssyncadd.s32 $0xFFFFE000  }
0xba: {  	[hbm4b:s12+s2] =	stream.linear.scatter [tilespmem:s17], [sflag:$0xA], $0x2000, $0x38;
	[tilespmem:$0x12800] =	vst v63  }
0xbb: {  	_ =	swait.ge [sflag:s13], $0x2000  }
0xbc: {  	[sflag:s13] =	ssyncset.done $0x0  }
0xbd: {  	[sflag:s13] =	ssyncadd.s32 $0xFFFFE000  }
0xbe: {  	_ =	swait.ge [sflag:s0], $0x2000  }
0xbf: {  	[sflag:s0] =	ssyncset.done $0x0  }
0xc0: {  	s14 =	rddreg [dreg:$0xd];
	[sflag:s0] =	ssyncadd.s32 $0xFFFFE000  }
0xc1: {  	[hbm4b:s14+s2] =	stream.linear.scatter [tilespmem:s19], [sflag:$0xB], $0x2000, $0x38;
	[tilespmem:$0x12800] =	vst v63  }
0xc2: {  	_ =	swait.ge [sflag:s18], $0x2000  }
0xc3: {  	[sflag:s18] =	ssyncset.done $0x0  }
0xc4: {  	[sflag:s18] =	ssyncadd.s32 $0xFFFFE000  }
0xc5: {  	_ =	swait.ge [sflag:s20], $0x2000  }
0xc6: {  	[sflag:s20] =	ssyncset.done $0x0  }
0xc7: {  	s16 =	rddreg [dreg:$0xe];
	[sflag:s20] =	ssyncadd.s32 $0xFFFFE000  }
0xc8: {  	[hbm4b:s16+s2] =	stream.linear.scatter [tilespmem:s21], [sflag:$0xC], $0x2000, $0x38;
	[tilespmem:$0x12800] =	vst v63  }
0xc9: {  	_ =	swait.ge [sflag:s22], $0x2000  }
0xca: {  	[sflag:s22] =	ssyncset.done $0x0  }
0xcb: {  	[sflag:s22] =	ssyncadd.s32 $0xFFFFE000  }
0xcc: {  	_ =	swait.ge [sflag:s24], $0x2000  }
0xcd: {  	[sflag:s24] =	ssyncset.done $0x0  }
0xce: {  	s17 =	rddreg [dreg:$0xf];
	[sflag:s24] =	ssyncadd.s32 $0xFFFFE000  }
0xcf: {  	[hbm4b:s17+s2] =	stream.linear.scatter [tilespmem:s23], [sflag:$0xD], $0x2000, $0x38;
	[tilespmem:$0x12800] =	vst v63  }
0xd0: {  	_ =	swait.ge [sflag:s26], $0x2000  }
0xd1: {  	[sflag:s26] =	ssyncset.done $0x0  }
0xd2: {  	[sflag:s26] =	ssyncadd.s32 $0xFFFFE000  }
0xd3: {  	_ =	swait.ge [sflag:s29], $0x2000  }
0xd4: {  	[sflag:s29] =	ssyncset.done $0x0  }
0xd5: {  	s19 =	rddreg [dreg:$0x10];
	[sflag:s29] =	ssyncadd.s32 $0xFFFFE000  }
0xd6: {  	[hbm4b:s19+s2] =	stream.linear.scatter [tilespmem:s25], [sflag:$0xE], $0x2000, $0x38;
	[tilespmem:$0x12800] =	vst v63  }
0xd7: {  	_ =	swait.ge [sflag:s4], $0x2000  }
0xd8: {  	[sflag:s4] =	ssyncset.done $0x0  }
0xd9: {  	[sflag:s4] =	ssyncadd.s32 $0xFFFFE000  }
0xda: {  	_ =	swait.ge [sflag:s5], $0x2000  }
0xdb: {  	[sflag:s5] =	ssyncset.done $0x0  }
0xdc: {  	s21 =	rddreg [dreg:$0x11];
	[sflag:s5] =	ssyncadd.s32 $0xFFFFE000  }
0xdd: {  	[hbm4b:s21+s2] =	stream.linear.scatter [tilespmem:s28], [sflag:$0xF], $0x2000, $0x38;
	[tilespmem:$0x12800] =	vst v63  }
0xde: {  	_ =	swait.ge [sflag:s6], $0x2000  }
0xdf: {  	[sflag:s6] =	ssyncset.done $0x0  }
0xe0: {  	[sflag:s6] =	ssyncadd.s32 $0xFFFFE000  }
0xe1: {  	_ =	swait.ge [sflag:s7], $0x2000  }
0xe2: {  	[sflag:s7] =	ssyncset.done $0x0  }
0xe3: {  	s23 =	rddreg [dreg:$0x12];
	[sflag:s7] =	ssyncadd.s32 $0xFFFFE000  }
0xe4: {  	[hbm4b:s23+s2] =	stream.linear.scatter [tilespmem:s30], [sflag:$0x10], $0x2000, $0x38;
	[tilespmem:$0x12800] =	vst v63  }
0xe5: {  	_ =	swait.ge [sflag:s8], $0x2000  }
0xe6: {  	[sflag:s8] =	ssyncset.done $0x0  }
0xe7: {  	[sflag:s8] =	ssyncadd.s32 $0xFFFFE000  }
0xe8: {  	_ =	swait.ge [sflag:s9], $0x2000  }
0xe9: {  	[sflag:s9] =	ssyncset.done $0x0  }
0xea: {  	s25 =	rddreg [dreg:$0x13];
	[sflag:s9] =	ssyncadd.s32 $0xFFFFE000  }
0xeb: {  	[hbm4b:s25+s2] =	stream.linear.scatter [tilespmem:s1], [sflag:$0x11], $0x2000, $0x38;
	[tilespmem:$0x12800] =	vst v63  }
0xec: {  	_ =	swait.ge [sflag:s10], $0x2000  }
0xed: {  	s28 =	rddreg [dreg:$0x15]  }
0xee: {  	s30 =	rddreg [dreg:$0x14];
	s1 =	sadd.s32 $0x1, s28  }
0xef: {  	p0 =	sne.s32 s1, s30  }
.Ltmp1:
0xf0: {  	_ = 	snop;
	(pc) =	sbr.rel @p0 .LBB2_1-.Ltmp1, $3  }
0xf1: {  	_ =	sdelay $0x1  }
0xf2: {  	[sflag:s10] =	ssyncset.done $0x0  }
0xf3: {  	[sflag:s10] =	ssyncadd.s32 $0xFFFFE000  }
0xf4: {  	_ =	sfence.sel $0x180000  }
0xf5: {  	[bflag:$0x0] =	sbarrier.arrive $0xFFFF  }
0xf6: {  	_ =	strace $0x9000004A  }
0xf7: {  	s0 =	stileid.u32;
	[bflag:$0x2] =	sbarrier.arrive $0xFFFF  }
0xf8: {  	p0 =	sne.s32 s0, $0x0;
	s0 =	rddreg [dreg:$0x2]  }
0xf9: {  	s0 =	sadd.s32 @!p0 $0x100000, s0  }
0xfa: {  	[sflag:s0] =	ssyncadd.tile.s32 @!p0 $0x1;
	_ =	shalt  }
.Lfunc_end2:
_tile_overlayer_lowered:
.L_overlay_start_2:
0xfb: {  	(tag) =	ssettag $0x2  }
0xfc: {  	s0 =	rddreg [dreg:$0x0];
	s2 =	stileid.u32  }
0xfd: {  	s1 =	rddreg [dreg:$0x1];
	p0 =	sne.s32 s2, $0x0  }
0xfe: {  	s3 =	rddreg [dreg:$0x2];
	[bflag:$0x3] =	sbarrier.arrive $0xFFFF;
	s2 =	simm.s32 @!p0 $0x1C12  }
0xff: {  	[timem:s3], [sflag:s2] =	dma.local @!p0 [hbm:s0], s1  }
0x100: {  	s0 =	simm.s32 @!p0 $0x12  }
0x101: {  	_ =	swait.ge @!p0 [sflag:s0], s1  }
0x102: {  	s1 =	ssub.s32 @!p0 $0x0, s1;
	[sflag:s0] =	ssyncset.done @!p0 $0x0  }
0x103: {  	[sflag:s0] =	ssyncadd.s32 @!p0 s1  }
0x104: {  	[bflag:$0x3] =	sbarrier.arrive $0xFFFF  }
0x105: {  	_ =	shalt  }

// kernel: sparse-core-data-format-call.1.cloned.1.call-start
scs
called_computation.1_lowered:
.L_overlay_start_0:
0x0: {  	s1 =	sld [smem:$0x3FD9]  }
0x1: {  	s2 =	sld [smem:$0x3FFE];
	_ =	sdelay $0x1  }
0x2: {  	s3 =	srdreg.scid  }
0x3: {  	s0 =	sand.u32 $0x1, s3  }
0x4: {  	s17 =	sshll.u32 s0, $0xA;
	s1 =	sadd.s32 s2, s1  }
0x5: {  	s1 =	sadd.s32 s1, s17  }
0x6: {  	[smem:$0x3FC6] =	sst s1  }
0x7: {  	_ = 	snop  }
0x8: {  	(tm) =	ssettm $0x1  }
0x9: {  	s18 =	sld [smem:$0x3FFB];
	_ =	sdelay $0x3  }
0xa: {  	_ =	strace s18  }
0xb: {  	s1 =	sld [smem:$0x3FFC];
	_ =	sdelay $0x3  }
0xc: {  	_ =	strace s1  }
0xd: {  	s1 =	sld [smem:$0x3FFD];
	_ =	sdelay $0x3  }
0xe: {  	_ =	strace s1  }
0xf: {  	_ =	strace $0x8FFFFFFF  }
0x10: {  	s19 =	sld [smem:$0x3FDB];
	_ =	sdelay $0x1  }
0x11: {  	s20 =	simm.s32 $_scs_section_size  }
0x12: {  	s4 =	simm.s32 $_size__tile_overlayer_lowered;
	s5 =	simm.s32 $_tile_overlayer_lowered  }
0x13: {  	s23 =	simm.s32 $0x1BFF;
	s22 =	sshll.u32 s5, $0x1;
	s1 =	sadd.s32 s20, s19  }
0x14: {  	s6 =	simm.s32 $0x0;
	s21 =	sshll.u32 s4, $0x1;
	s4 =	sadd.s32 s22, s1  }
0x15: {  	[timem:s6], [sflag:s23] =	dma.local [hbm:s4], s21  }
0x16: {  	_ =	swait.ge [sflag:s23], s21  }
0x17: {  	s2 =	ssub.s32 $0x0, s21;
	[sflag:s23] =	ssyncset.done $0x0  }
0x18: {  	[sflag:s23] =	ssyncadd.s32 s2;
	_ =	sdelay $0x1  }
0x19: {  	s24 =	simm.s32 $0x1B8B  }
0x1a: {  	_ =	swait.ge [sflag:s24], $0x1  }
0x1b: {  	[sflag:s24] =	ssyncset.done $0x0  }
0x1c: {  	s26 =	simm.s32 $0x1B8E;
	s25 =	sld [smem:$0x3FFE];
	[sflag:s24] =	ssyncadd.s32 $0xFFFFFFFF  }
0x1d: {  	s27 =	simm.s32 $execute0_lowered;
	[smem:$0x3FD2] =	sst s26  }
0x1e: {  	s4 =	sshll.u32 s27, $0x1;
	_ =	strace $0x80000046;
	[dreg:$0x1] =	wrdreg $0xFFFFFFFF  }
0x1f: {  	s28 =	simm.s32 $_size_execute0_lowered;
	s1 =	sadd.s32 s1, s4;
	[dreg:$0x0] =	wrdreg $0x0  }
0x20: {  	s4 =	sshll.u32 s28, $0x1;
	[dreg:$0x2] =	wrdreg s1  }
0x21: {  	[dreg:$0x3] =	wrdreg s4  }
0x22: {  	[dreg:$0x4] =	wrdreg $0xC0  }
0x23: {  	_ =	task [dreg:s6], $0x5FFFF  }
0x24: {  	[dreg:$0x1] =	wrdreg $0xFFFFFFFF  }
0x25: {  	[dreg:$0x0] =	wrdreg $0x60  }
0x26: {  	[dreg:$0x2] =	wrdreg s25  }
0x27: {  	[dreg:$0x3] =	wrdreg $0x9  }
0x28: {  	_ =	task.clear_ibuf [dreg:s6], $0x4FFFF;
	_ =	strace $0x90000046  }
0x29: {  	s29 =	simm.s32 $0x9;
	_ =	strace $0x80000048  }
0x2a: {  	_ =	swait.ge [sflag:s29], $0x1  }
0x2b: {  	[sflag:s29] =	ssyncadd.s32 $0xFFFFFFFF  }
0x2c: {  	_ =	strace $0x90000048  }
0x2d: {  	_ =	sfence  }
0x2e: {  	s30 =	sld [smem:$0x0];
	_ =	sdelay $0x2  }
0x2f: {  	s31 =	sshll.u32 s3, $0xD;
	s3 =	sshrl.u32 s3, $0x2  }
0x30: {  	s2 =	sand.u32 $0x4000, s31;
	s1 =	sadd.s32 s3, s30  }
0x31: {  	s0 =	sor.u32 s2, s0;
	s1 =	sshll.u32 s1, $0x11  }
0x32: {  	s0 =	sor.u32 s1, s0  }
0x33: {  	s0 =	sadd.s32 $0x8F2B, s0  }
0x34: {  	[sflag:s0] =	ssyncadd.remote.s32 $0x1  }
0x35: {  	_ =	sfence.sel $0xFFFF  }
0x36: {  	[dreg:$0x0] =	wrdreg $0xFFFFFFFF;
	(pc) =	sbr.abs _section_cstart, $3  }
0x37: {  	[dreg:$0x1] =	wrdreg $0xFFFFFFFF  }
0x38: {  	_ =	task.clear_ibuf [dreg:s6], $0x2FFFF;
	_ =	strace $0x9FFFFFFF  }
0x39: {  	(tm) =	ssettm $0x7FFFFFFF  }
tec
execute0_lowered:
.L_overlay_start_1:
0x0: {  	(tag) =	ssettag $0x1  }
0x1: {  	s0 =	srdreg.scid  }
0x2: {  	s4 =	rddreg [dreg:$0x0];
	s1 =	stileid.u32  }
0x3: {  	s5 =	simm.s32 $0x1;
	s7 =	simm.s32 $0x2;
	s14 =	simm.s32 $0x0  }
0x4: {  	p0 =	por $0x0, $0x0;
	s13 =	simm.s32 $0x0;
	s0 =	sshll.u32 s0, $0x4  }
0x5: {  	s8 =	simm.s32 $0x0;
	s9 =	simm.s32 $0x0;
	s2 =	sand.u32 $0x10, s0  }
.Ltmp0:
0x6: {  	s11 =	simm.s32 $0x0;
	s3 =	sor.u32 s1, s2;
	(pc) =	sbr.rel .LBB1_1-.Ltmp0, $4  }
0x7: {  	s0 =	rddreg [dreg:$0x1];
	_ =	strace $0x80000047;
	s3 =	sshll.u32 s3, $0x7  }
0x8: {  	s12 =	simm.s32 $0x0;
	s2 =	sadd.s32 $0x7A2800, s4;
	s6 =	ssub.s32 $0x7A100, s3  }
0x9: {  	s4 =	sadd.s32 $0x1000, s4;
	[sflag:s5] =	ssyncpa.u1 $0x0;
	s6 =	sshrl.u32 s6, $0xC  }
0xa: {  	[sflag:s7] =	ssyncpa.u1 $0x0;
	s10 =	smov.u32 s3;
	s7 =	sadd.s32 $0x2, s6  }
.LBB1_5:
0xb: {  	p1 =	slt.u32 s12, $0x2  }
0xc: {  	p2 =	sgt.s32 @!p1 s14, $0x7A0A0  }
0xd: {  	s15 =	smov.u32 s14;
	s16 =	sshra.s32 @!p1 s14, $0x1F;
	p2 =	por !p2, p1  }
0xe: {  	s14 =	sand.u32 @!p1 s16, s14;
	s15 =	simm.s32 @p2 $0x7A0A0  }
0xf: {  	s14 =	ssub.s32 @!p1 s15, s14;
	s15 =	ssub.s32 @!p1 $0x0, s13  }
0x10: {  	s17 =	smov.u32 s11;
	s16 =	sadd.s32 @!p1 $0xFFF85F60, s14;
	s13 =	smin.u32 @!p1 s13, s15  }
0x11: {  	s14 =	ssub.s32 @!p1 $0x7A120, s14;
	p2 =	sgt.s32 @!p1 s16, $0x7F;
	p3 =	sgt.s32 @!p1 s13, $0x7F  }
0x12: {  	s13 =	ssub.s32 @!p1 $0x80, s13;
	p2 =	por !p2, p1;
	p3 =	por !p3, p1  }
0x13: {  	s15 =	sadd.s32 $0x1000, s10;
	s14 =	simm.s32 @!p2 $0x0;
	s13 =	simm.s32 @!p3 $0x0  }
0x14: {  	p2 =	sgt.s32 s15, $0x7A11F;
	s13 =	smul.u32 @!p1 s13, s14;
	s14 =	sadd.s32 $0x80, s11  }
0x15: {  	s17 =	smov.u32 @p2 s14  }
0x16: {  	s15 =	smov.u32 @p2 s3;
	p2 =	sgt.s32 s17, $0x7F  }
0x17: {  	s17 =	simm.s32 @p2 $0x0;
	p2 =	sne.s32 s12, s7  }
.Ltmp1:
0x18: {  	p0 =	por !p0, !p0;
	s16 =	simm.s32 @!p1 $0x2;
	(pc) =	sbr.rel @!p2 .LBB1_6-.Ltmp1, $4  }
0x19: {  	s14 =	smov.u32 s8;
	s8 =	smov.u32 s10;
	s13 =	sand.u32 @!p1 $0x3FFFFFFF, s13  }
0x1a: {  	s10 =	smov.u32 s15;
	_ =	swait.ge @!p1 [sflag:s16], s13;
	s18 =	ssub.s32 @!p1 $0x0, s13  }
0x1b: {  	s13 =	smov.u32 s9;
	s12 =	sadd.s32 $0x1, s12;
	[sflag:s16] =	ssyncset.done @!p1 $0x0  }
0x1c: {  	s9 =	smov.u32 s11;
	s11 =	smov.u32 s17;
	[sflag:s16] =	ssyncadd.s32 @!p1 s18  }
.LBB1_1:
0x1d: {  	p1 =	sgt.u32 s12, s6  }
0x1e: {  	s15 =	sshrl.u32 @!p1 s11, $0x3  }
0x1f: {  	s16 =	sshll.u32 @!p1 s10, $0x3;
	s15 =	smul.u32 @!p1 $0x3D0C00, s15  }
0x20: {  	s17 =	sshll.u32 @!p1 s11, $0x7;
	s16 =	sand.u32 @!p1 $0xFFFFFC00, s16  }
0x21: {  	s15 =	sadd.s32 @!p1 s15, s16;
	s16 =	sand.u32 @!p1 $0x380, s17  }
0x22: {  	s15 =	sor.u32 @!p1 s16, s15  }
0x23: {  	s16 =	sshrl.u32 @!p1 s15, $0x7  }
0x24: {  	s16 =	smulhi.u32 @!p1 $0x10C6249, s16;
	_ =	sdelay $0x1  }
0x25: {  	s16 =	sshrl.u32 @!p1 s16, $0x4  }
0x26: {  	s17 =	sand.u32 @!p1 $0x7F, s10;
	s18 =	smul.u32 @!p1 $0x7A180, s16  }
0x27: {  	s15 =	sor.u32 @!p1 s17, s15;
	s17 =	sxor.u32 @!p1 $0xFFFFFFFF, s12  }
0x28: {  	s17 =	sshll.u32 @!p1 s17, $0xE;
	s16 =	sand.u32 @!p1 $0x7F, s16;
	s15 =	ssub.s32 @!p1 s15, s18  }
0x29: {  	s16 =	smul.u32 @!p1 $0xF430, s16;
	s18 =	sshrl.u32 @!p1 s15, $0x3;
	s15 =	sand.u32 @!p1 $0x7, s15  }
0x2a: {  	s17 =	sand.u32 @!p1 $0x4000, s17;
	s18 =	sadd.s32 @!p1 s2, s18;
	s15 =	sshll.u32 @!p1 s15, $0x12  }
0x2b: {  	s16 =	sadd.s32 @!p1 s16, s18;
	s15 =	sor.u32 @!p1 $0x400, s15;
	s18 =	simm.s32 @!p1 $0x3D0C00  }
0x2c: {  	[tilespmem:s17], [sflag:$0x1] =	stream.strided.gather @!p1 [hbm4b:s16+s15], $0x4000, s18, s15, $0x38;
	[tilespmem:$0x10100] =	vst v63  }
0x2d: {  	p1 =	seq.s32 s12, $0x0  }
0x2e: {  	p2 =	sge.u32 @!p1 s12, s7  }
0x2f: {  	p1 =	por p1, p2  }
.Ltmp2:
0x30: {  	_ = 	snop;
	(pc) =	sbr.rel @p1 .LBB1_5-.Ltmp2, $1  }
0x31: {  	_ =	sdelay $0x3  }
0x32: {  	s15 =	simm.s32 $0x1  }
0x33: {  	_ =	swait.ge [sflag:s5], $0x4000;
	s15 =	simm.s32 @!p0 $0x0  }
0x34: {  	[sflag:s5] =	ssyncset.done $0x0;
	s16 =	sshll.u32 s15, $0xE  }
0x35: {  	[sflag:s5] =	ssyncadd.s32 $0xFFFFC000;
	s16 =	sor.u32 $0x40, s16  }
0x36: {  	s15 =	smul.u32 $0x10200, s15;
	v0 =	vld [tilespmem:s16+$0x30]  }
0x37: {  	v1 =	vld [tilespmem:s16+$0xFFFFFFD0]  }
0x38: {  	s15 =	sshrl.u32 s15, $0x2;
	v5 =	vld [tilespmem:s16+$0xFFFFFFE0]  }
0x39: {  	v6 =	vld [tilespmem:s16+$0xFFFFFFF0];
	s18 =	sor.u32 $0x8000, s15  }
0x3a: {  	s31 =	sand.u32 $0x1, s12;
	v4 =	vld [tilespmem:s16+$0x0];
	s17 =	sadd.s32 $0x0, s18  }
0x3b: {  	v3 =	vld [tilespmem:s16+$0x10];
	s15 =	smul.u32 $0x10200, s31;
	[tilespmem:s17+$0x3870 ss:$0x81] =	vst.msk $0xffff, v0  }
0x3c: {  	v2 =	vld [tilespmem:s16+$0x20];
	[tilespmem:s17+$0x810 ss:$0x81] =	vst.msk $0xffff, v1  }
0x3d: {  	s15 =	sshrl.u32 s15, $0x2;
	v0 =	vld [tilespmem:s16+$0xFFFFFFC0];
	[tilespmem:s17+$0x1020 ss:$0x81] =	vst.msk $0xffff, v5;
	s16 =	sadd.s32 $0x80, s16  }
0x3e: {  	s19 =	simm.s32 $0x4;
	s20 =	simm.s32 $0x8;
	s15 =	sor.u32 $0x8000, s15;
	[tilespmem:s17+$0x1830 ss:$0x81] =	vst.msk $0xffff, v6;
	v1 =	vld [tilespmem:s16+$0x30]  }
.LBB1_3:
0x3f: {  	p1 =	sne.s32 s20, $0x1FC;
	v5 =	vld [tilespmem:s16+$0xFFFFFFD0];
	[tilespmem:s17+$0x2040 ss:$0x81] =	vst.msk $0xffff, v4  }
0x40: {  	v6 =	vld [tilespmem:s16+$0xFFFFFFE0];
	[tilespmem:s17+$0x2850 ss:$0x81] =	vst.msk $0xffff, v3  }
0x41: {  	s21 =	sshra.s32 s19, $0x2;
	s19 =	smov.u32 s20;
	v7 =	vld [tilespmem:s16+$0xFFFFFFF0];
	[tilespmem:s17+$0x3060 ss:$0x81] =	vst.msk $0xffff, v2  }
.Ltmp3:
0x42: {  	v4 =	vld [tilespmem:s16+$0x0];
	[tilespmem:s17+$0x0 ss:$0x81] =	vst.msk $0xffff, v0;
	s17 =	sadd.s32 s21, s18;
	(pc) =	sbr.rel @p1 .LBB1_3-.Ltmp3, $4  }
0x43: {  	v3 =	vld [tilespmem:s16+$0x10];
	[tilespmem:s17+$0x3870 ss:$0x81] =	vst.msk $0xffff, v1  }
0x44: {  	[tilespmem:s17+$0x810 ss:$0x81] =	vst.msk $0xffff, v5;
	v2 =	vld [tilespmem:s16+$0x20]  }
0x45: {  	v0 =	vld [tilespmem:s16+$0xFFFFFFC0];
	[tilespmem:s17+$0x1020 ss:$0x81] =	vst.msk $0xffff, v6;
	s16 =	sadd.s32 $0x80, s16  }
0x46: {  	s20 =	sadd.s32 $0x4, s20;
	v1 =	vld [tilespmem:s16+$0x30];
	[tilespmem:s17+$0x1830 ss:$0x81] =	vst.msk $0xffff, v7  }
0x47: {  	s20 =	sshll.u32 s8, $0x7;
	s21 =	sshll.u32 s9, $0x3;
	s19 =	sshra.s32 s19, $0x2  }
0x48: {  	v5 =	vld [tilespmem:s16+$0xFFFFFFD0];
	[tilespmem:s17+$0x2040 ss:$0x81] =	vst.msk $0xffff, v4;
	p1 =	sgt.s32 s8, $0x7A0A0;
	s22 =	sand.u32 $0xFFFFFC00, s20;
	s21 =	sand.u32 $0xFFFFFC00, s21  }
0x49: {  	v58 =	vld [tilespmem:s16+$0xFFFFFFE0];
	s24 =	sshra.s32 s8, $0x1F;
	s20 =	sand.u32 $0x380, s20;
	[tilespmem:s17+$0x2850 ss:$0x81] =	vst.msk $0xffff, v3;
	s21 =	sadd.s32 s21, s22  }
0x4a: {  	v59 =	vld [tilespmem:s16+$0xFFFFFFF0];
	s26 =	ssub.s32 $0x0, s9;
	s18 =	sadd.s32 s19, s18;
	[tilespmem:s17+$0x3060 ss:$0x81] =	vst.msk $0xffff, v2;
	s23 =	sor.u32 s20, s21  }
0x4b: {  	v60 =	vld [tilespmem:s16+$0x0];
	s28 =	smin.u32 s9, s26;
	s20 =	smov.u32 s8;
	[tilespmem:s17+$0x0 ss:$0x81] =	vst.msk $0xffff, v0;
	s19 =	sshrl.u32 s23, $0x7  }
0x4c: {  	v61 =	vld [tilespmem:s16+$0x10];
	s21 =	sand.u32 s24, s8;
	s20 =	simm.s32 @!p1 $0x7A0A0;
	[tilespmem:s18+$0x3870 ss:$0x81] =	vst.msk $0xffff, v1;
	s25 =	smulhi.u32 $0x218DEF5, s19  }
0x4d: {  	v62 =	vld [tilespmem:s16+$0x20];
	s29 =	sshrl.u32 s9, $0x3;
	p2 =	sgt.s32 s28, $0x7F;
	s20 =	ssub.s32 s20, s21;
	[tilespmem:s18+$0x810 ss:$0x81] =	vst.msk $0xffff, v5  }
0x4e: {  	v63 =	vld [tilespmem:s16+$0xFFFFFFC0];
	[tilespmem:s18+$0x1020 ss:$0x81] =	vst.msk $0xffff, v58;
	s21 =	sadd.s32 $0xFFF85F60, s20;
	s20 =	ssub.s32 $0x7A120, s20;
	s17 =	sshrl.u32 s25, $0xC  }
0x4f: {  	[tilespmem:s18+$0x1830 ss:$0x81] =	vst.msk $0xffff, v59;
	p1 =	sgt.s32 s21, $0x7F;
	s27 =	smul.u32 $0x7A120, s17;
	s17 =	ssub.s32 $0x80, s28  }
.Ltmp4:
0x50: {  	[tilespmem:s18+$0x2040 ss:$0x81] =	vst.msk $0xffff, v60;
	s20 =	simm.s32 @p1 $0x0;
	s17 =	simm.s32 @p2 $0x0;
	(pc) =	sbr.rel .LBB1_5-.Ltmp4, $4  }
0x51: {  	s30 =	sand.u32 $0xF, s29;
	[tilespmem:s18+$0x2850 ss:$0x81] =	vst.msk $0xffff, v61;
	s16 =	ssub.s32 s19, s27;
	s17 =	smul.u32 s17, s20  }
0x52: {  	[tilespmem:s18+$0x3060 ss:$0x81] =	vst.msk $0xffff, v62;
	s19 =	sadd.s32 s4, s30;
	s16 =	sshll.u32 s16, $0x4  }
0x53: {  	s31 =	sand.u32 $0x7, s9;
	[tilespmem:s18+$0x0 ss:$0x81] =	vst.msk $0xffff, v63;
	s17 =	sand.u32 $0x3FFFFFFF, s17;
	s16 =	sadd.s32 s16, s19  }
0x54: {  	[hbm4b:s16+s31] =	stream.linear.scatter [tilespmem:s15], [sflag:$0x2], s17, $0x20;
	[tilespmem:$0x10100] =	vst v63  }
.LBB1_6:
0x55: {  	_ =	sfence.sel $0x180000  }
0x56: {  	s2 =	simm.s32 $0x1;
	[bflag:$0x0] =	sbarrier.arrive $0xFFFF  }
0x57: {  	s31 =	simm.s32 $0x2;
	[sflag:s2] =	ssyncpa.u1 $0x1  }
0x58: {  	[sflag:s31] =	ssyncpa.u1 $0x1  }
0x59: {  	p0 =	sne.s32 s1, $0x0;
	_ =	strace $0x90000047  }
0x5a: {  	s0 =	sadd.s32 @!p0 $0x100000, s0;
	[bflag:$0x2] =	sbarrier.arrive $0xFFFF  }
0x5b: {  	[sflag:s0] =	ssyncadd.tile.s32 @!p0 $0x1;
	_ =	shalt  }
.Lfunc_end1:
_tile_overlayer_lowered:
.L_overlay_start_2:
0x5c: {  	(tag) =	ssettag $0x2  }
0x5d: {  	s0 =	rddreg [dreg:$0x0];
	s2 =	stileid.u32  }
0x5e: {  	s1 =	rddreg [dreg:$0x1];
	p0 =	sne.s32 s2, $0x0  }
0x5f: {  	s3 =	rddreg [dreg:$0x2];
	[bflag:$0x3] =	sbarrier.arrive $0xFFFF;
	s2 =	simm.s32 @!p0 $0x1C01  }
0x60: {  	[timem:s3], [sflag:s2] =	dma.local @!p0 [hbm:s0], s1  }
0x61: {  	s0 =	simm.s32 @!p0 $0x1  }
0x62: {  	_ =	swait.ge @!p0 [sflag:s0], s1  }
0x63: {  	s1 =	ssub.s32 @!p0 $0x0, s1;
	[sflag:s0] =	ssyncset.done @!p0 $0x0  }
0x64: {  	[sflag:s0] =	ssyncadd.s32 @!p0 s1  }
0x65: {  	[bflag:$0x3] =	sbarrier.arrive $0xFFFF  }
0x66: {  	_ =	shalt  }

// kernel: sparse-core-data-format-call.cloned.1.call-start
scs
called_computation_lowered:
.L_overlay_start_0:
0x0: {  	s2 =	sld [smem:$0x3FD9]  }
0x1: {  	s3 =	sld [smem:$0x3FFE];
	_ =	sdelay $0x1  }
0x2: {  	s1 =	srdreg.scid  }
0x3: {  	s0 =	sand.u32 $0x1, s1  }
0x4: {  	s18 =	sshll.u32 s0, $0xA;
	s2 =	sadd.s32 s3, s2  }
0x5: {  	s2 =	sadd.s32 s2, s18  }
0x6: {  	[smem:$0x3FC6] =	sst s2  }
0x7: {  	_ = 	snop  }
0x8: {  	s2 =	sld [smem:$0x3FD0];
	(tm) =	ssettm $0x1  }
0x9: {  	s19 =	sld [smem:$0x3FFB];
	_ =	sdelay $0x3  }
0xa: {  	_ =	strace s19  }
0xb: {  	s3 =	sld [smem:$0x3FFC];
	_ =	sdelay $0x3  }
0xc: {  	_ =	strace s3  }
0xd: {  	s3 =	sld [smem:$0x3FFD];
	_ =	sdelay $0x3  }
0xe: {  	_ =	strace s3  }
0xf: {  	_ =	strace $0x8FFFFFFF  }
0x10: {  	s20 =	sld [smem:$0x3FDB];
	_ =	sdelay $0x1  }
0x11: {  	s4 =	simm.s32 $_scs_section_size  }
0x12: {  	s5 =	simm.s32 $_size__tile_overlayer_lowered;
	s6 =	simm.s32 $_tile_overlayer_lowered  }
0x13: {  	s23 =	simm.s32 $0x1BFF;
	s22 =	sshll.u32 s6, $0x1;
	s3 =	sadd.s32 s4, s20  }
0x14: {  	s7 =	simm.s32 $0x0;
	s21 =	sshll.u32 s5, $0x1;
	s5 =	sadd.s32 s22, s3  }
0x15: {  	[timem:s7], [sflag:s23] =	dma.local [hbm:s5], s21  }
0x16: {  	_ =	swait.ge [sflag:s23], s21  }
0x17: {  	s4 =	ssub.s32 $0x0, s21;
	[sflag:s23] =	ssyncset.done $0x0  }
0x18: {  	[sflag:s23] =	ssyncadd.s32 s4;
	_ =	sdelay $0x1  }
0x19: {  	s24 =	simm.s32 $0x1B8B  }
0x1a: {  	_ =	swait.ge [sflag:s24], $0x1  }
0x1b: {  	[sflag:s24] =	ssyncset.done $0x0  }
0x1c: {  	s26 =	simm.s32 $0x1B8E;
	s25 =	sld [smem:$0x3FFE];
	[sflag:s24] =	ssyncadd.s32 $0xFFFFFFFF  }
0x1d: {  	s27 =	simm.s32 $execute0_lowered;
	[smem:$0x3FD2] =	sst s26  }
0x1e: {  	s5 =	sshll.u32 s27, $0x1;
	_ =	strace $0x8000004C;
	[dreg:$0x1] =	wrdreg $0xFFFFFFFF  }
0x1f: {  	s28 =	simm.s32 $_size_execute0_lowered;
	s3 =	sadd.s32 s3, s5;
	[dreg:$0x0] =	wrdreg $0x0  }
0x20: {  	s5 =	sshll.u32 s28, $0x1;
	[dreg:$0x2] =	wrdreg s3  }
0x21: {  	[dreg:$0x3] =	wrdreg s5  }
0x22: {  	[dreg:$0x4] =	wrdreg $0xC0  }
0x23: {  	_ =	task [dreg:s7], $0x5FFFF  }
0x24: {  	[dreg:$0x1] =	wrdreg $0xFFFFFFFF  }
0x25: {  	[dreg:$0x0] =	wrdreg $0x60  }
0x26: {  	[dreg:$0x2] =	wrdreg s25  }
0x27: {  	[dreg:$0x3] =	wrdreg s2  }
0x28: {  	[dreg:$0x4] =	wrdreg $0x9  }
0x29: {  	_ =	task.clear_ibuf [dreg:s7], $0x5FFFF;
	_ =	strace $0x9000004C  }
0x2a: {  	s29 =	simm.s32 $0x9;
	_ =	strace $0x8000004E  }
0x2b: {  	_ =	swait.ge [sflag:s29], $0x1  }
0x2c: {  	[sflag:s29] =	ssyncadd.s32 $0xFFFFFFFF  }
0x2d: {  	_ =	strace $0x9000004E  }
0x2e: {  	_ =	sfence  }
0x2f: {  	s30 =	sld [smem:$0x0];
	_ =	sdelay $0x2  }
0x30: {  	s31 =	sshll.u32 s1, $0xD;
	s1 =	sshrl.u32 s1, $0x2  }
0x31: {  	s3 =	sand.u32 $0x4000, s31;
	s1 =	sadd.s32 s1, s30  }
0x32: {  	s0 =	sor.u32 s3, s0;
	s1 =	sshll.u32 s1, $0x11  }
0x33: {  	s0 =	sor.u32 s1, s0  }
0x34: {  	s0 =	sadd.s32 $0x8F2B, s0  }
0x35: {  	[sflag:s0] =	ssyncadd.remote.s32 $0x1  }
0x36: {  	_ =	sfence.sel $0xFFFF  }
0x37: {  	[dreg:$0x0] =	wrdreg $0xFFFFFFFF;
	(pc) =	sbr.abs _section_cstart, $3  }
0x38: {  	[dreg:$0x1] =	wrdreg $0xFFFFFFFF  }
0x39: {  	_ =	task.clear_ibuf [dreg:s7], $0x2FFFF;
	_ =	strace $0x9FFFFFFF  }
0x3a: {  	(tm) =	ssettm $0x7FFFFFFF  }
0x3b: {  	_ =	shalt  }
tec
execute0_lowered:
.L_overlay_start_1:
0x0: {  	(tag) =	ssettag $0x1  }
0x1: {  	s0 =	srdreg.scid  }
0x2: {  	s1 =	sshll.u32 s0, $0x4  }
0x3: {  	s0 =	stileid.u32;
	s1 =	sand.u32 $0x10, s1  }
0x4: {  	s1 =	sor.u32 s0, s1  }
0x5: {  	s6 =	rddreg [dreg:$0x0];
	s4 =	simm.s32 $0x1;
	s2 =	sshll.u32 s1, $0x7  }
0x6: {  	s7 =	simm.s32 $0x2;
	s12 =	simm.s32 $0x0;
	s1 =	ssub.s32 $0x4000, s2  }
0x7: {  	s8 =	simm.s32 $0x20000;
	s13 =	simm.s32 $0x0;
	s3 =	sand.u32 $0xF80, s1  }
0x8: {  	s9 =	simm.s32 $0x0;
	s5 =	sshrl.u32 s1, $0xC;
	p0 =	sne.s32 s3, $0x0  }
.Ltmp0:
0x9: {  	s1 =	rddreg [dreg:$0x2];
	s4 =	simm.s32 @!p0 $0x0;
	(pc) =	sbr.rel .LBB1_1-.Ltmp0, $4  }
0xa: {  	s11 =	simm.s32 $0x0;
	s3 =	rddreg [dreg:$0x1];
	s5 =	sadd.s32 s4, s5  }
0xb: {  	_ =	strace $0x8000004D;
	s4 =	simm.s32 $0x1;
	s5 =	smul.u32 $0x14, s5  }
0xc: {  	s6 =	sadd.s32 $0x1000, s6;
	s10 =	smov.u32 s2;
	[sflag:s4] =	ssyncpa.u1 $0x0  }
0xd: {  	p0 =	por $0x0, $0x0;
	[sflag:s7] =	ssyncpa.u1 $0x0;
	s7 =	sor.u32 $0x1, s5  }
.LBB1_4:
0xe: {  	s16 =	sshll.u32 s13, $0x3;
	s17 =	sand.u32 $0x78, s13  }
0xf: {  	s30 =	sand.u32 $0x1F800, s13;
	s12 =	sshll.u32 s12, $0x11;
	s16 =	sand.u32 $0x3C00, s16  }
0x10: {  	[tilespmem:s15+$0x810 ss:$0x81] =	vst.msk $0xffff, v2;
	s31 =	sand.u32 $0x7, s13;
	s16 =	sor.u32 s17, s16;
	s17 =	sadd.s32 s3, s30  }
0x11: {  	[tilespmem:s15+$0x1020 ss:$0x81] =	vst.msk $0xffff, v0;
	s13 =	sshll.u32 s31, $0x12;
	s12 =	sadd.s32 s12, s17;
	s16 =	sshrl.u32 s16, $0x3  }
0x12: {  	[tilespmem:s15+$0x0 ss:$0x81] =	vst.msk $0xffff, v1;
	s13 =	sor.u32 $0x400, s13;
	s12 =	sadd.s32 s16, s12  }
0x13: {  	[hbm4b:s12+s13] =	stream.strided.scatter [tilespmem:s14], [sflag:$0x2], $0x2000, s8, s13, $0x20;
	[tilespmem:$0x8080] =	vst v63  }
.LBB1_5:
0x14: {  	s14 =	sadd.s32 $0x1, s9  }
0x15: {  	s12 =	sadd.s32 $0x1000, s10;
	s16 =	smov.u32 s10;
	p2 =	sgt.s32 s14, $0x13  }
0x16: {  	s16 =	smov.u32 @p2 s12  }
0x17: {  	s14 =	simm.s32 @p2 $0x0;
	p2 =	sgt.s32 s16, $0x3FFF  }
0x18: {  	s16 =	smov.u32 @p2 s2;
	p2 =	sne.s32 s11, s7  }
.Ltmp1:
0x19: {  	p1 =	slt.u32 s11, $0x2;
	(pc) =	sbr.rel @!p2 .LBB1_6-.Ltmp1, $4  }
0x1a: {  	s15 =	simm.s32 @!p1 $0x2  }
0x1b: {  	s13 =	smov.u32 s10;
	p0 =	por !p0, !p0;
	_ =	swait.ge @!p1 [sflag:s15], $0x2000  }
0x1c: {  	s12 =	smov.u32 s9;
	[sflag:s15] =	ssyncset.done @!p1 $0x0;
	s9 =	smov.u32 s14  }
0x1d: {  	s11 =	sadd.s32 $0x1, s11;
	[sflag:s15] =	ssyncadd.s32 @!p1 $0xFFFFE000;
	s10 =	smov.u32 s16  }
.LBB1_1:
0x1e: {  	p1 =	sge.u32 s11, s5  }
0x1f: {  	s14 =	sand.u32 @!p1 $0x1FFFFFF, s9  }
0x20: {  	s15 =	smulhi.u32 @!p1 $0xAAAAAAB, s14;
	_ =	sdelay $0x1  }
0x21: {  	s15 =	smul.u32 @!p1 $0x18, s15  }
0x22: {  	s16 =	sxor.u32 @!p1 $0xFFFFFFFF, s11;
	s17 =	smul.u32 @!p1 $0x180, s10  }
0x23: {  	s31 =	sadd.s32 $0xFFFFFFFF, s11;
	s16 =	sshll.u32 @!p1 s16, $0xD;
	s14 =	ssub.s32 @!p1 s14, s15  }
0x24: {  	s15 =	sand.u32 @!p1 $0x2000, s16;
	s16 =	sadd.s32 @!p1 s6, s17;
	s14 =	sshll.u32 @!p1 s14, $0x4  }
0x25: {  	s17 =	simm.s32 @!p1 $0xC00;
	s14 =	sadd.s32 @!p1 s14, s16;
	s16 =	simm.s32 @!p1 $0x40  }
0x26: {  	[tilespmem:s15], [sflag:$0x1] =	stream.strided.gather @!p1 [hbm4b:s14+s16], $0x2000, s17, s16, $0x38;
	[tilespmem:$0x8080] =	vst v63  }
0x27: {  	p1 =	sge.u32 s31, s5  }
.Ltmp2:
0x28: {  	_ = 	snop;
	(pc) =	sbr.rel @p1 .LBB1_5-.Ltmp2, $1  }
0x29: {  	_ =	sdelay $0x3  }
0x2a: {  	s14 =	simm.s32 $0x1  }
0x2b: {  	_ =	swait.ge [sflag:s4], $0x2000;
	s14 =	simm.s32 @!p0 $0x0  }
0x2c: {  	[sflag:s4] =	ssyncset.done $0x0;
	s15 =	sshll.u32 s14, $0xD  }
0x2d: {  	[sflag:s4] =	ssyncadd.s32 $0xFFFFE000;
	s18 =	sor.u32 $0x20, s15  }
0x2e: {  	s14 =	smul.u32 $0x8100, s14;
	v3 =	vld [tilespmem:s18+$0x10]  }
0x2f: {  	s30 =	sand.u32 $0x1, s11;
	v2 =	vld [tilespmem:s18+$0xFFFFFFF0]  }
0x30: {  	s15 =	smul.u32 $0x8100, s30;
	s14 =	sshrl.u32 s14, $0x2;
	v0 =	vld [tilespmem:s18+$0x0]  }
0x31: {  	v1 =	vld [tilespmem:s18+$0xFFFFFFE0];
	s16 =	sor.u32 $0x4000, s14  }
0x32: {  	s31 =	sshrl.u32 s15, $0x2;
	s15 =	sadd.s32 $0x0, s16  }
0x33: {  	s17 =	simm.s32 $0x4;
	s18 =	sadd.s32 $0x40, s18;
	s14 =	sor.u32 $0x4000, s31;
	[tilespmem:s15+$0x1830 ss:$0x81] =	vst.msk $0xffff, v3  }
.LBB1_3:
0x34: {  	v3 =	vld [tilespmem:s18+$0x10];
	p1 =	sne.s32 s17, $0x1FC;
	[tilespmem:s15+$0x810 ss:$0x81] =	vst.msk $0xffff, v2;
	s19 =	smov.u32 s17;
	s17 =	sadd.s32 $0x4, s17  }
.Ltmp3:
0x35: {  	v2 =	vld [tilespmem:s18+$0xFFFFFFF0];
	[tilespmem:s15+$0x1020 ss:$0x81] =	vst.msk $0xffff, v0;
	(pc) =	sbr.rel @p1 .LBB1_3-.Ltmp3, $4  }
0x36: {  	v0 =	vld [tilespmem:s18+$0x0];
	[tilespmem:s15+$0x0 ss:$0x81] =	vst.msk $0xffff, v1  }
0x37: {  	s15 =	sshra.s32 s19, $0x2;
	v1 =	vld [tilespmem:s18+$0xFFFFFFE0]  }
0x38: {  	s15 =	sadd.s32 s15, s16  }
0x39: {  	s18 =	sadd.s32 $0x40, s18;
	[tilespmem:s15+$0x1830 ss:$0x81] =	vst.msk $0xffff, v3  }
.Ltmp4:
0x3a: {  	_ = 	snop;
	(pc) =	sbr.rel .LBB1_4-.Ltmp4, $1  }
0x3b: {  	_ =	sdelay $0x3  }
.LBB1_6:
0x3c: {  	_ =	sfence.sel $0x180000  }
0x3d: {  	s2 =	simm.s32 $0x1;
	[bflag:$0x0] =	sbarrier.arrive $0xFFFF  }
0x3e: {  	s31 =	simm.s32 $0x2;
	[sflag:s2] =	ssyncpa.u1 $0x1  }
0x3f: {  	[sflag:s31] =	ssyncpa.u1 $0x1  }
0x40: {  	p0 =	sne.s32 s0, $0x0;
	_ =	strace $0x9000004D  }
0x41: {  	s0 =	sadd.s32 @!p0 $0x100000, s1;
	[bflag:$0x2] =	sbarrier.arrive $0xFFFF  }
0x42: {  	[sflag:s0] =	ssyncadd.tile.s32 @!p0 $0x1;
	_ =	shalt  }
.Lfunc_end1:
_tile_overlayer_lowered:
.L_overlay_start_2:
0x43: {  	(tag) =	ssettag $0x2  }
0x44: {  	s0 =	rddreg [dreg:$0x0];
	s2 =	stileid.u32  }
0x45: {  	s1 =	rddreg [dreg:$0x1];
	p0 =	sne.s32 s2, $0x0  }
0x46: {  	s3 =	rddreg [dreg:$0x2];
	[bflag:$0x3] =	sbarrier.arrive $0xFFFF;
	s2 =	simm.s32 @!p0 $0x1C01  }
0x47: {  	[timem:s3], [sflag:s2] =	dma.local @!p0 [hbm:s0], s1  }
0x48: {  	s0 =	simm.s32 @!p0 $0x1  }
0x49: {  	_ =	swait.ge @!p0 [sflag:s0], s1  }
0x4a: {  	s1 =	ssub.s32 @!p0 $0x0, s1;
	[sflag:s0] =	ssyncset.done @!p0 $0x0  }
0x4b: {  	[sflag:s0] =	ssyncadd.s32 @!p0 s1  }
0x4c: {  	[bflag:$0x3] =	sbarrier.arrive $0xFFFF  }
0x4d: {  	_ =	shalt  }

</sc_bundles>
